<compile_context>
chip_gen: v7x
topology: tpu7x:2x2x1
jax: 0.10.2.dev20260603
libtpu: 0.0.44.dev20260713+nightly
codegen_flags: <defaults>
</compile_context>

<pallas_src>
import functools

import jax
import jax.numpy as jnp
from jax import lax
from jax.experimental import pallas as pl
from jax.experimental.pallas import tpu as pltpu
from jax.experimental.pallas import tpu_sc as plsc

_LATENT = 128
_BATCH = 16384
_NC = 2
_NS = 16
_L = 16
_NW = _NC * _NS
_ROWS_PER_W = _BATCH // _NW
_CHUNK = 128
_NCHUNK = _ROWS_PER_W // _CHUNK
_CE = _CHUNK * _LATENT
_NBUF = 3
_GROUPS = _LATENT // _L


def _sc_permute(target, permutation):
    mesh = plsc.VectorSubcoreMesh(
        core_axis_name="c", subcore_axis_name="s",
        num_cores=_NC, num_subcores=_NS)

    @functools.partial(
        pl.kernel,
        out_type=jax.ShapeDtypeStruct((_BATCH * _LATENT,), jnp.float32),
        mesh=mesh,
        compiler_params=pltpu.CompilerParams(
            needs_layout_passes=False,
            disable_bounds_checks=True,
            disable_semaphore_checks=True,
            skip_device_barrier=True,
        ),
        scratch_types=[
            pltpu.VMEM((_LATENT,), jnp.int32),
            pltpu.VMEM((_CE,), jnp.float32),
            pltpu.VMEM((_CE,), jnp.float32),
            pltpu.VMEM((_CE,), jnp.float32),
            pltpu.VMEM((_CE,), jnp.float32),
            pltpu.VMEM((_CE,), jnp.float32),
            pltpu.VMEM((_CE,), jnp.float32),
            pltpu.SemaphoreType.DMA,
            pltpu.SemaphoreType.DMA,
            pltpu.SemaphoreType.DMA,
            pltpu.SemaphoreType.DMA,
            pltpu.SemaphoreType.DMA,
            pltpu.SemaphoreType.DMA,
        ],
    )
    def body(target_flat, perm_hbm, out_flat, perm_v,
             inb0, inb1, inb2, outb0, outb1, outb2,
             si0, si1, si2, so0, so1, so2):
        wid = lax.axis_index("s") * _NC + lax.axis_index("c")
        base = wid * _ROWS_PER_W * _LATENT
        inbs, outbs = [inb0, inb1, inb2], [outb0, outb1, outb2]
        sis, sos = [si0, si1, si2], [so0, so1, so2]

        in_h = [None] * _NBUF
        out_h = [None] * _NBUF
        for c in range(min(_NBUF, _NCHUNK)):
            in_h[c] = pltpu.async_copy(
                target_flat.at[pl.ds(base + c * _CE, _CE)], inbs[c], sis[c])
        pltpu.sync_copy(perm_hbm, perm_v)
        perm_vecs = tuple(perm_v[pl.ds(g * _L, _L)] for g in range(_GROUPS))

        for c in range(_NCHUNK):
            b = c % _NBUF
            in_h[b].wait()
            if out_h[b] is not None:
                out_h[b].wait()
            inb, outb = inbs[b], outbs[b]

            @plsc.parallel_loop(0, _CHUNK, 1, unroll=2)
            def _row(r, inb=inb, outb=outb):
                rb = r * _LATENT
                rbv = jnp.full((_L,), rb, dtype=jnp.int32)
                vals = [plsc.load_gather(inb, [perm_vecs[g] + rbv])
                        for g in range(_GROUPS)]
                for g in range(_GROUPS):
                    outb[pl.ds(rb + g * _L, _L)] = vals[g]
            out_h[b] = pltpu.async_copy(
                outb, out_flat.at[pl.ds(base + c * _CE, _CE)], sos[b])
            if c + _NBUF < _NCHUNK:
                in_h[b] = pltpu.async_copy(
                    target_flat.at[pl.ds(base + (c + _NBUF) * _CE, _CE)],
                    inbs[b], sis[b])

        for b in range(min(_NBUF, _NCHUNK)):
            if out_h[b] is not None:
                out_h[b].wait()

    flat = body(target.reshape(_BATCH * _LATENT), permutation)
    return flat.reshape(_BATCH, _LATENT)


def kernel(target, permutation):
    return _sc_permute(target, permutation)

# --- scband reference (transcript-rebuilt; emitter-appended) ---
"""Pipeline reference for scband-permutation-40329742910101 (READ-ONLY COPY).

The authoritative reference and input builder live on the scoring server;
editing this copy changes nothing except your own understanding.
"""

import jax, jax.numpy as jnp
import numpy as np

LATENT_DIM = 128
BATCH = 16384

def setup_inputs(seed: int = 0) -> dict:
    key = jax.random.key(seed)
    k_x, k_perm = jax.random.split(key)
    target = jax.random.normal(k_x, (BATCH, LATENT_DIM), dtype=jnp.float32)
    permutation = jax.random.permutation(k_perm, LATENT_DIM).astype(jnp.int32)
    return {"target": target, "permutation": permutation}

def reference(target, permutation):
    # Permutation.call(target, inverse=False): tf.gather(target, permutation, axis=-1)
    return jnp.take(target, permutation, axis=-1)

if __name__ == "__main__":
    import jax
    _d = setup_inputs()
    print(jax.jit(kernel)(*tuple(_d.values())))

</pallas_src>

<mosaic_0001>
#map = affine_map<(d0, d1) -> (0)>
module attributes {stable_mosaic.version = 14 : i64} {
  func.func @body(%arg0: i32, %arg1: i32, %arg2: memref<2097152xf32, #tpu.memory_space<hbm>>, %arg3: memref<128xi32, #tpu.memory_space<hbm>>, %arg4: memref<2097152xf32, #tpu.memory_space<hbm>>, %arg5: memref<128xi32, #tpu.memory_space<vmem>>, %arg6: memref<16384xf32, #tpu.memory_space<vmem>>, %arg7: memref<16384xf32, #tpu.memory_space<vmem>>, %arg8: memref<16384xf32, #tpu.memory_space<vmem>>, %arg9: memref<16384xf32, #tpu.memory_space<vmem>>, %arg10: memref<16384xf32, #tpu.memory_space<vmem>>, %arg11: memref<16384xf32, #tpu.memory_space<vmem>>, %arg12: memref<!tpu.dma_semaphore, #tpu.memory_space<semaphore_mem>>, %arg13: memref<!tpu.dma_semaphore, #tpu.memory_space<semaphore_mem>>, %arg14: memref<!tpu.dma_semaphore, #tpu.memory_space<semaphore_mem>>, %arg15: memref<!tpu.dma_semaphore, #tpu.memory_space<semaphore_mem>>, %arg16: memref<!tpu.dma_semaphore, #tpu.memory_space<semaphore_mem>>, %arg17: memref<!tpu.dma_semaphore, #tpu.memory_space<semaphore_mem>>) attributes {dimension_semantics = [#tpu.dimension_semantics<core_parallel>, #tpu.dimension_semantics<subcore_parallel>], iteration_bounds = array<i64: 2, 16>, scalar_prefetch = 0 : i64, scratch_operands = 13 : i64, tpu.core_type = #tpu.core_type<sc_vector_subcore>, window_params = [{transform_indices = #map}, {transform_indices = #map}, {transform_indices = #map}]} {
    %mul3A = arith.constant 2 : i32
    %mul3A_0 = arith.muli %arg1, %mul3A : i32
    %add3A = arith.addi %mul3A_0, %arg0 : i32
    %mul3A_1 = arith.constant 512 : i32
    %mul3A_2 = arith.muli %add3A, %mul3A_1 : i32
    %mul3A_3 = arith.constant 128 : i32
    %mul3A_4 = arith.muli %mul3A_2, %mul3A_3 : i32
    %add3A_5 = arith.constant 0 : i32
    %add3A_6 = arith.addi %mul3A_4, %add3A_5 : i32
    %dma_start3A = tpu.memref_slice %arg2[%add3A_6] : memref<2097152xf32, #tpu.memory_space<hbm>> -> memref<16384xf32, #tpu.memory_space<hbm>>
    %dma_start3A_7 = tpu.memref_slice %arg2[%add3A_6] : memref<2097152xf32, #tpu.memory_space<hbm>> -> memref<16384xf32, #tpu.memory_space<hbm>>
    tpu.enqueue_dma source(%dma_start3A_7 : memref<16384xf32, #tpu.memory_space<hbm>>) target(%arg6 : memref<16384xf32, #tpu.memory_space<vmem>>) target_semaphore(%arg12 : memref<!tpu.dma_semaphore, #tpu.memory_space<semaphore_mem>>)
    %add3A_8 = arith.constant 16384 : i32
    %add3A_9 = arith.addi %mul3A_4, %add3A_8 : i32
    %dma_start3A_10 = tpu.memref_slice %arg2[%add3A_9] : memref<2097152xf32, #tpu.memory_space<hbm>> -> memref<16384xf32, #tpu.memory_space<hbm>>
    %dma_start3A_11 = tpu.memref_slice %arg2[%add3A_9] : memref<2097152xf32, #tpu.memory_space<hbm>> -> memref<16384xf32, #tpu.memory_space<hbm>>
    tpu.enqueue_dma source(%dma_start3A_11 : memref<16384xf32, #tpu.memory_space<hbm>>) target(%arg7 : memref<16384xf32, #tpu.memory_space<vmem>>) target_semaphore(%arg13 : memref<!tpu.dma_semaphore, #tpu.memory_space<semaphore_mem>>)
    %add3A_12 = arith.constant 32768 : i32
    %add3A_13 = arith.addi %mul3A_4, %add3A_12 : i32
    %dma_start3A_14 = tpu.memref_slice %arg2[%add3A_13] : memref<2097152xf32, #tpu.memory_space<hbm>> -> memref<16384xf32, #tpu.memory_space<hbm>>
    %dma_start3A_15 = tpu.memref_slice %arg2[%add3A_13] : memref<2097152xf32, #tpu.memory_space<hbm>> -> memref<16384xf32, #tpu.memory_space<hbm>>
    tpu.enqueue_dma source(%dma_start3A_15 : memref<16384xf32, #tpu.memory_space<hbm>>) target(%arg8 : memref<16384xf32, #tpu.memory_space<vmem>>) target_semaphore(%arg14 : memref<!tpu.dma_semaphore, #tpu.memory_space<semaphore_mem>>)
    "tpu.region"() ({
      %run_scoped3A = tpu.sem_alloc : memref<!tpu.dma_semaphore, #tpu.memory_space<semaphore_mem>>
      tpu.enqueue_dma source(%arg3 : memref<128xi32, #tpu.memory_space<hbm>>) target(%arg5 : memref<128xi32, #tpu.memory_space<vmem>>) target_semaphore(%run_scoped3A : memref<!tpu.dma_semaphore, #tpu.memory_space<semaphore_mem>>)
      tpu.wait_dma2 semaphore(%run_scoped3A : memref<!tpu.dma_semaphore, #tpu.memory_space<semaphore_mem>>) src(%arg3 : memref<128xi32, #tpu.memory_space<hbm>>) dst(%arg5 : memref<128xi32, #tpu.memory_space<vmem>>)
      tpu.yield
    }) : () -> ()
    %get3A = arith.constant 0 : index
    %get3A_16 = tpu.vector_load %arg5[%get3A] {strides = array<i32>} : memref<128xi32, #tpu.memory_space<vmem>>, vector<16xi32>,
    %get3A_17 = arith.constant 16 : index
    %get3A_18 = tpu.vector_load %arg5[%get3A_17] {strides = array<i32>} : memref<128xi32, #tpu.memory_space<vmem>>, vector<16xi32>,
    %get3A_19 = arith.constant 32 : index
    %get3A_20 = tpu.vector_load %arg5[%get3A_19] {strides = array<i32>} : memref<128xi32, #tpu.memory_space<vmem>>, vector<16xi32>,
    %get3A_21 = arith.constant 48 : index
    %get3A_22 = tpu.vector_load %arg5[%get3A_21] {strides = array<i32>} : memref<128xi32, #tpu.memory_space<vmem>>, vector<16xi32>,
    %get3A_23 = arith.constant 64 : index
    %get3A_24 = tpu.vector_load %arg5[%get3A_23] {strides = array<i32>} : memref<128xi32, #tpu.memory_space<vmem>>, vector<16xi32>,
    %get3A_25 = arith.constant 80 : index
    %get3A_26 = tpu.vector_load %arg5[%get3A_25] {strides = array<i32>} : memref<128xi32, #tpu.memory_space<vmem>>, vector<16xi32>,
    %get3A_27 = arith.constant 96 : index
    %get3A_28 = tpu.vector_load %arg5[%get3A_27] {strides = array<i32>} : memref<128xi32, #tpu.memory_space<vmem>>, vector<16xi32>,
    %get3A_29 = arith.constant 112 : index
    %get3A_30 = tpu.vector_load %arg5[%get3A_29] {strides = array<i32>} : memref<128xi32, #tpu.memory_space<vmem>>, vector<16xi32>,
    %dma_wait3A = tpu.memref_slice %arg2[%add3A_6] : memref<2097152xf32, #tpu.memory_space<hbm>> -> memref<16384xf32, #tpu.memory_space<hbm>>
    %dma_wait3A_31 = tpu.memref_slice %arg2[%add3A_6] : memref<2097152xf32, #tpu.memory_space<hbm>> -> memref<16384xf32, #tpu.memory_space<hbm>>
    tpu.wait_dma2 semaphore(%arg12 : memref<!tpu.dma_semaphore, #tpu.memory_space<semaphore_mem>>) src(%dma_wait3A_31 : memref<16384xf32, #tpu.memory_space<hbm>>) dst(%arg6 : memref<16384xf32, #tpu.memory_space<vmem>>)
    %parallel_loop3A = arith.constant 0 : i32
    %parallel_loop3A_32 = arith.constant 128 : i32
    %parallel_loop3A_33 = arith.constant 1 : i32
    scf.for %parallel_loop3A_77 = %parallel_loop3A to %parallel_loop3A_32 step %parallel_loop3A_33  : i32 {
      %parallel_loop3A_78 = arith.constant 128 : i32
      %parallel_loop3A_79 = arith.muli %parallel_loop3A_77, %parallel_loop3A_78 : i32
      %parallel_loop3A_80 = vector.broadcast %parallel_loop3A_79 : i32 to vector<16xi32>
      %parallel_loop3A_81 = arith.addi %get3A_16, %parallel_loop3A_80 : vector<16xi32>
      %parallel_loop3A_82 = tpu.vector_load_idx %arg6[%parallel_loop3A_81] : memref<16384xf32, #tpu.memory_space<vmem>>[vector<16xi32>], vector<16xf32>,
      %parallel_loop3A_83 = arith.addi %get3A_18, %parallel_loop3A_80 : vector<16xi32>
      %parallel_loop3A_84 = tpu.vector_load_idx %arg6[%parallel_loop3A_83] : memref<16384xf32, #tpu.memory_space<vmem>>[vector<16xi32>], vector<16xf32>,
      %parallel_loop3A_85 = arith.addi %get3A_20, %parallel_loop3A_80 : vector<16xi32>
      %parallel_loop3A_86 = tpu.vector_load_idx %arg6[%parallel_loop3A_85] : memref<16384xf32, #tpu.memory_space<vmem>>[vector<16xi32>], vector<16xf32>,
      %parallel_loop3A_87 = arith.addi %get3A_22, %parallel_loop3A_80 : vector<16xi32>
      %parallel_loop3A_88 = tpu.vector_load_idx %arg6[%parallel_loop3A_87] : memref<16384xf32, #tpu.memory_space<vmem>>[vector<16xi32>], vector<16xf32>,
      %parallel_loop3A_89 = arith.addi %get3A_24, %parallel_loop3A_80 : vector<16xi32>
      %parallel_loop3A_90 = tpu.vector_load_idx %arg6[%parallel_loop3A_89] : memref<16384xf32, #tpu.memory_space<vmem>>[vector<16xi32>], vector<16xf32>,
      %parallel_loop3A_91 = arith.addi %get3A_26, %parallel_loop3A_80 : vector<16xi32>
      %parallel_loop3A_92 = tpu.vector_load_idx %arg6[%parallel_loop3A_91] : memref<16384xf32, #tpu.memory_space<vmem>>[vector<16xi32>], vector<16xf32>,
      %parallel_loop3A_93 = arith.addi %get3A_28, %parallel_loop3A_80 : vector<16xi32>
      %parallel_loop3A_94 = tpu.vector_load_idx %arg6[%parallel_loop3A_93] : memref<16384xf32, #tpu.memory_space<vmem>>[vector<16xi32>], vector<16xf32>,
      %parallel_loop3A_95 = arith.addi %get3A_30, %parallel_loop3A_80 : vector<16xi32>
      %parallel_loop3A_96 = tpu.vector_load_idx %arg6[%parallel_loop3A_95] : memref<16384xf32, #tpu.memory_space<vmem>>[vector<16xi32>], vector<16xf32>,
      %parallel_loop3A_97 = arith.constant 0 : i32
      %parallel_loop3A_98 = arith.addi %parallel_loop3A_79, %parallel_loop3A_97 : i32
      %parallel_loop3A_99 = arith.index_cast %parallel_loop3A_98 : i32 to index
      %parallel_loop3A_100 = tpu.vector_load %arg9[%parallel_loop3A_99] {strides = array<i32>} : memref<16384xf32, #tpu.memory_space<vmem>>, vector<16xf32>,
      tpu.vector_store %arg9[%parallel_loop3A_99], %parallel_loop3A_82 {strides = array<i32>} : memref<16384xf32, #tpu.memory_space<vmem>>, vector<16xf32>,
      %parallel_loop3A_101 = arith.constant 16 : i32
      %parallel_loop3A_102 = arith.addi %parallel_loop3A_79, %parallel_loop3A_101 : i32
      %parallel_loop3A_103 = arith.index_cast %parallel_loop3A_102 : i32 to index
      %parallel_loop3A_104 = tpu.vector_load %arg9[%parallel_loop3A_103] {strides = array<i32>} : memref<16384xf32, #tpu.memory_space<vmem>>, vector<16xf32>,
      tpu.vector_store %arg9[%parallel_loop3A_103], %parallel_loop3A_84 {strides = array<i32>} : memref<16384xf32, #tpu.memory_space<vmem>>, vector<16xf32>,
      %parallel_loop3A_105 = arith.constant 32 : i32
      %parallel_loop3A_106 = arith.addi %parallel_loop3A_79, %parallel_loop3A_105 : i32
      %parallel_loop3A_107 = arith.index_cast %parallel_loop3A_106 : i32 to index
      %parallel_loop3A_108 = tpu.vector_load %arg9[%parallel_loop3A_107] {strides = array<i32>} : memref<16384xf32, #tpu.memory_space<vmem>>, vector<16xf32>,
      tpu.vector_store %arg9[%parallel_loop3A_107], %parallel_loop3A_86 {strides = array<i32>} : memref<16384xf32, #tpu.memory_space<vmem>>, vector<16xf32>,
      %parallel_loop3A_109 = arith.constant 48 : i32
      %parallel_loop3A_110 = arith.addi %parallel_loop3A_79, %parallel_loop3A_109 : i32
      %parallel_loop3A_111 = arith.index_cast %parallel_loop3A_110 : i32 to index
      %parallel_loop3A_112 = tpu.vector_load %arg9[%parallel_loop3A_111] {strides = array<i32>} : memref<16384xf32, #tpu.memory_space<vmem>>, vector<16xf32>,
      tpu.vector_store %arg9[%parallel_loop3A_111], %parallel_loop3A_88 {strides = array<i32>} : memref<16384xf32, #tpu.memory_space<vmem>>, vector<16xf32>,
      %parallel_loop3A_113 = arith.constant 64 : i32
      %parallel_loop3A_114 = arith.addi %parallel_loop3A_79, %parallel_loop3A_113 : i32
      %parallel_loop3A_115 = arith.index_cast %parallel_loop3A_114 : i32 to index
      %parallel_loop3A_116 = tpu.vector_load %arg9[%parallel_loop3A_115] {strides = array<i32>} : memref<16384xf32, #tpu.memory_space<vmem>>, vector<16xf32>,
      tpu.vector_store %arg9[%parallel_loop3A_115], %parallel_loop3A_90 {strides = array<i32>} : memref<16384xf32, #tpu.memory_space<vmem>>, vector<16xf32>,
      %parallel_loop3A_117 = arith.constant 80 : i32
      %parallel_loop3A_118 = arith.addi %parallel_loop3A_79, %parallel_loop3A_117 : i32
      %parallel_loop3A_119 = arith.index_cast %parallel_loop3A_118 : i32 to index
      %parallel_loop3A_120 = tpu.vector_load %arg9[%parallel_loop3A_119] {strides = array<i32>} : memref<16384xf32, #tpu.memory_space<vmem>>, vector<16xf32>,
      tpu.vector_store %arg9[%parallel_loop3A_119], %parallel_loop3A_92 {strides = array<i32>} : memref<16384xf32, #tpu.memory_space<vmem>>, vector<16xf32>,
      %parallel_loop3A_121 = arith.constant 96 : i32
      %parallel_loop3A_122 = arith.addi %parallel_loop3A_79, %parallel_loop3A_121 : i32
      %parallel_loop3A_123 = arith.index_cast %parallel_loop3A_122 : i32 to index
      %parallel_loop3A_124 = tpu.vector_load %arg9[%parallel_loop3A_123] {strides = array<i32>} : memref<16384xf32, #tpu.memory_space<vmem>>, vector<16xf32>,
      tpu.vector_store %arg9[%parallel_loop3A_123], %parallel_loop3A_94 {strides = array<i32>} : memref<16384xf32, #tpu.memory_space<vmem>>, vector<16xf32>,
      %parallel_loop3A_125 = arith.constant 112 : i32
      %parallel_loop3A_126 = arith.addi %parallel_loop3A_79, %parallel_loop3A_125 : i32
      %parallel_loop3A_127 = arith.index_cast %parallel_loop3A_126 : i32 to index
      %parallel_loop3A_128 = tpu.vector_load %arg9[%parallel_loop3A_127] {strides = array<i32>} : memref<16384xf32, #tpu.memory_space<vmem>>, vector<16xf32>,
      tpu.vector_store %arg9[%parallel_loop3A_127], %parallel_loop3A_96 {strides = array<i32>} : memref<16384xf32, #tpu.memory_space<vmem>>, vector<16xf32>,
    } {sc.loop_unroll_factor = 2 : i64, sc.parallel_access}
    %add3A_34 = arith.constant 0 : i32
    %add3A_35 = arith.addi %mul3A_4, %add3A_34 : i32
    %dma_start3A_36 = tpu.memref_slice %arg4[%add3A_35] : memref<2097152xf32, #tpu.memory_space<hbm>> -> memref<16384xf32, #tpu.memory_space<hbm>>
    %dma_start3A_37 = tpu.memref_slice %arg4[%add3A_35] : memref<2097152xf32, #tpu.memory_space<hbm>> -> memref<16384xf32, #tpu.memory_space<hbm>>
    tpu.enqueue_dma source(%arg9 : memref<16384xf32, #tpu.memory_space<vmem>>) target(%dma_start3A_37 : memref<16384xf32, #tpu.memory_space<hbm>>) target_semaphore(%arg15 : memref<!tpu.dma_semaphore, #tpu.memory_space<semaphore_mem>>)
    %add3A_38 = arith.constant 49152 : i32
    %add3A_39 = arith.addi %mul3A_4, %add3A_38 : i32
    %dma_start3A_40 = tpu.memref_slice %arg2[%add3A_39] : memref<2097152xf32, #tpu.memory_space<hbm>> -> memref<16384xf32, #tpu.memory_space<hbm>>
    %dma_start3A_41 = tpu.memref_slice %arg2[%add3A_39] : memref<2097152xf32, #tpu.memory_space<hbm>> -> memref<16384xf32, #tpu.memory_space<hbm>>
    tpu.enqueue_dma source(%dma_start3A_41 : memref<16384xf32, #tpu.memory_space<hbm>>) target(%arg6 : memref<16384xf32, #tpu.memory_space<vmem>>) target_semaphore(%arg12 : memref<!tpu.dma_semaphore, #tpu.memory_space<semaphore_mem>>)
    %dma_wait3A_42 = tpu.memref_slice %arg2[%add3A_9] : memref<2097152xf32, #tpu.memory_space<hbm>> -> memref<16384xf32, #tpu.memory_space<hbm>>
    %dma_wait3A_43 = tpu.memref_slice %arg2[%add3A_9] : memref<2097152xf32, #tpu.memory_space<hbm>> -> memref<16384xf32, #tpu.memory_space<hbm>>
    tpu.wait_dma2 semaphore(%arg13 : memref<!tpu.dma_semaphore, #tpu.memory_space<semaphore_mem>>) src(%dma_wait3A_43 : memref<16384xf32, #tpu.memory_space<hbm>>) dst(%arg7 : memref<16384xf32, #tpu.memory_space<vmem>>)
    %parallel_loop3A_44 = arith.constant 0 : i32
    %parallel_loop3A_45 = arith.constant 128 : i32
    %parallel_loop3A_46 = arith.constant 1 : i32
    scf.for %parallel_loop3A_77 = %parallel_loop3A_44 to %parallel_loop3A_45 step %parallel_loop3A_46  : i32 {
      %parallel_loop3A_78 = arith.constant 128 : i32
      %parallel_loop3A_79 = arith.muli %parallel_loop3A_77, %parallel_loop3A_78 : i32
      %parallel_loop3A_80 = vector.broadcast %parallel_loop3A_79 : i32 to vector<16xi32>
      %parallel_loop3A_81 = arith.addi %get3A_16, %parallel_loop3A_80 : vector<16xi32>
      %parallel_loop3A_82 = tpu.vector_load_idx %arg7[%parallel_loop3A_81] : memref<16384xf32, #tpu.memory_space<vmem>>[vector<16xi32>], vector<16xf32>,
      %parallel_loop3A_83 = arith.addi %get3A_18, %parallel_loop3A_80 : vector<16xi32>
      %parallel_loop3A_84 = tpu.vector_load_idx %arg7[%parallel_loop3A_83] : memref<16384xf32, #tpu.memory_space<vmem>>[vector<16xi32>], vector<16xf32>,
      %parallel_loop3A_85 = arith.addi %get3A_20, %parallel_loop3A_80 : vector<16xi32>
      %parallel_loop3A_86 = tpu.vector_load_idx %arg7[%parallel_loop3A_85] : memref<16384xf32, #tpu.memory_space<vmem>>[vector<16xi32>], vector<16xf32>,
      %parallel_loop3A_87 = arith.addi %get3A_22, %parallel_loop3A_80 : vector<16xi32>
      %parallel_loop3A_88 = tpu.vector_load_idx %arg7[%parallel_loop3A_87] : memref<16384xf32, #tpu.memory_space<vmem>>[vector<16xi32>], vector<16xf32>,
      %parallel_loop3A_89 = arith.addi %get3A_24, %parallel_loop3A_80 : vector<16xi32>
      %parallel_loop3A_90 = tpu.vector_load_idx %arg7[%parallel_loop3A_89] : memref<16384xf32, #tpu.memory_space<vmem>>[vector<16xi32>], vector<16xf32>,
      %parallel_loop3A_91 = arith.addi %get3A_26, %parallel_loop3A_80 : vector<16xi32>
      %parallel_loop3A_92 = tpu.vector_load_idx %arg7[%parallel_loop3A_91] : memref<16384xf32, #tpu.memory_space<vmem>>[vector<16xi32>], vector<16xf32>,
      %parallel_loop3A_93 = arith.addi %get3A_28, %parallel_loop3A_80 : vector<16xi32>
      %parallel_loop3A_94 = tpu.vector_load_idx %arg7[%parallel_loop3A_93] : memref<16384xf32, #tpu.memory_space<vmem>>[vector<16xi32>], vector<16xf32>,
      %parallel_loop3A_95 = arith.addi %get3A_30, %parallel_loop3A_80 : vector<16xi32>
      %parallel_loop3A_96 = tpu.vector_load_idx %arg7[%parallel_loop3A_95] : memref<16384xf32, #tpu.memory_space<vmem>>[vector<16xi32>], vector<16xf32>,
      %parallel_loop3A_97 = arith.constant 0 : i32
      %parallel_loop3A_98 = arith.addi %parallel_loop3A_79, %parallel_loop3A_97 : i32
      %parallel_loop3A_99 = arith.index_cast %parallel_loop3A_98 : i32 to index
      %parallel_loop3A_100 = tpu.vector_load %arg10[%parallel_loop3A_99] {strides = array<i32>} : memref<16384xf32, #tpu.memory_space<vmem>>, vector<16xf32>,
      tpu.vector_store %arg10[%parallel_loop3A_99], %parallel_loop3A_82 {strides = array<i32>} : memref<16384xf32, #tpu.memory_space<vmem>>, vector<16xf32>,
      %parallel_loop3A_101 = arith.constant 16 : i32
      %parallel_loop3A_102 = arith.addi %parallel_loop3A_79, %parallel_loop3A_101 : i32
      %parallel_loop3A_103 = arith.index_cast %parallel_loop3A_102 : i32 to index
      %parallel_loop3A_104 = tpu.vector_load %arg10[%parallel_loop3A_103] {strides = array<i32>} : memref<16384xf32, #tpu.memory_space<vmem>>, vector<16xf32>,
      tpu.vector_store %arg10[%parallel_loop3A_103], %parallel_loop3A_84 {strides = array<i32>} : memref<16384xf32, #tpu.memory_space<vmem>>, vector<16xf32>,
      %parallel_loop3A_105 = arith.constant 32 : i32
      %parallel_loop3A_106 = arith.addi %parallel_loop3A_79, %parallel_loop3A_105 : i32
      %parallel_loop3A_107 = arith.index_cast %parallel_loop3A_106 : i32 to index
      %parallel_loop3A_108 = tpu.vector_load %arg10[%parallel_loop3A_107] {strides = array<i32>} : memref<16384xf32, #tpu.memory_space<vmem>>, vector<16xf32>,
      tpu.vector_store %arg10[%parallel_loop3A_107], %parallel_loop3A_86 {strides = array<i32>} : memref<16384xf32, #tpu.memory_space<vmem>>, vector<16xf32>,
      %parallel_loop3A_109 = arith.constant 48 : i32
      %parallel_loop3A_110 = arith.addi %parallel_loop3A_79, %parallel_loop3A_109 : i32
      %parallel_loop3A_111 = arith.index_cast %parallel_loop3A_110 : i32 to index
      %parallel_loop3A_112 = tpu.vector_load %arg10[%parallel_loop3A_111] {strides = array<i32>} : memref<16384xf32, #tpu.memory_space<vmem>>, vector<16xf32>,
      tpu.vector_store %arg10[%parallel_loop3A_111], %parallel_loop3A_88 {strides = array<i32>} : memref<16384xf32, #tpu.memory_space<vmem>>, vector<16xf32>,
      %parallel_loop3A_113 = arith.constant 64 : i32
      %parallel_loop3A_114 = arith.addi %parallel_loop3A_79, %parallel_loop3A_113 : i32
      %parallel_loop3A_115 = arith.index_cast %parallel_loop3A_114 : i32 to index
      %parallel_loop3A_116 = tpu.vector_load %arg10[%parallel_loop3A_115] {strides = array<i32>} : memref<16384xf32, #tpu.memory_space<vmem>>, vector<16xf32>,
      tpu.vector_store %arg10[%parallel_loop3A_115], %parallel_loop3A_90 {strides = array<i32>} : memref<16384xf32, #tpu.memory_space<vmem>>, vector<16xf32>,
      %parallel_loop3A_117 = arith.constant 80 : i32
      %parallel_loop3A_118 = arith.addi %parallel_loop3A_79, %parallel_loop3A_117 : i32
      %parallel_loop3A_119 = arith.index_cast %parallel_loop3A_118 : i32 to index
      %parallel_loop3A_120 = tpu.vector_load %arg10[%parallel_loop3A_119] {strides = array<i32>} : memref<16384xf32, #tpu.memory_space<vmem>>, vector<16xf32>,
      tpu.vector_store %arg10[%parallel_loop3A_119], %parallel_loop3A_92 {strides = array<i32>} : memref<16384xf32, #tpu.memory_space<vmem>>, vector<16xf32>,
      %parallel_loop3A_121 = arith.constant 96 : i32
      %parallel_loop3A_122 = arith.addi %parallel_loop3A_79, %parallel_loop3A_121 : i32
      %parallel_loop3A_123 = arith.index_cast %parallel_loop3A_122 : i32 to index
      %parallel_loop3A_124 = tpu.vector_load %arg10[%parallel_loop3A_123] {strides = array<i32>} : memref<16384xf32, #tpu.memory_space<vmem>>, vector<16xf32>,
      tpu.vector_store %arg10[%parallel_loop3A_123], %parallel_loop3A_94 {strides = array<i32>} : memref<16384xf32, #tpu.memory_space<vmem>>, vector<16xf32>,
      %parallel_loop3A_125 = arith.constant 112 : i32
      %parallel_loop3A_126 = arith.addi %parallel_loop3A_79, %parallel_loop3A_125 : i32
      %parallel_loop3A_127 = arith.index_cast %parallel_loop3A_126 : i32 to index
      %parallel_loop3A_128 = tpu.vector_load %arg10[%parallel_loop3A_127] {strides = array<i32>} : memref<16384xf32, #tpu.memory_space<vmem>>, vector<16xf32>,
      tpu.vector_store %arg10[%parallel_loop3A_127], %parallel_loop3A_96 {strides = array<i32>} : memref<16384xf32, #tpu.memory_space<vmem>>, vector<16xf32>,
    } {sc.loop_unroll_factor = 2 : i64, sc.parallel_access}
    %add3A_47 = arith.constant 16384 : i32
    %add3A_48 = arith.addi %mul3A_4, %add3A_47 : i32
    %dma_start3A_49 = tpu.memref_slice %arg4[%add3A_48] : memref<2097152xf32, #tpu.memory_space<hbm>> -> memref<16384xf32, #tpu.memory_space<hbm>>
    %dma_start3A_50 = tpu.memref_slice %arg4[%add3A_48] : memref<2097152xf32, #tpu.memory_space<hbm>> -> memref<16384xf32, #tpu.memory_space<hbm>>
    tpu.enqueue_dma source(%arg10 : memref<16384xf32, #tpu.memory_space<vmem>>) target(%dma_start3A_50 : memref<16384xf32, #tpu.memory_space<hbm>>) target_semaphore(%arg16 : memref<!tpu.dma_semaphore, #tpu.memory_space<semaphore_mem>>)
    %dma_wait3A_51 = tpu.memref_slice %arg2[%add3A_13] : memref<2097152xf32, #tpu.memory_space<hbm>> -> memref<16384xf32, #tpu.memory_space<hbm>>
    %dma_wait3A_52 = tpu.memref_slice %arg2[%add3A_13] : memref<2097152xf32, #tpu.memory_space<hbm>> -> memref<16384xf32, #tpu.memory_space<hbm>>
    tpu.wait_dma2 semaphore(%arg14 : memref<!tpu.dma_semaphore, #tpu.memory_space<semaphore_mem>>) src(%dma_wait3A_52 : memref<16384xf32, #tpu.memory_space<hbm>>) dst(%arg8 : memref<16384xf32, #tpu.memory_space<vmem>>)
    %parallel_loop3A_53 = arith.constant 0 : i32
    %parallel_loop3A_54 = arith.constant 128 : i32
    %parallel_loop3A_55 = arith.constant 1 : i32
    scf.for %parallel_loop3A_77 = %parallel_loop3A_53 to %parallel_loop3A_54 step %parallel_loop3A_55  : i32 {
      %parallel_loop3A_78 = arith.constant 128 : i32
      %parallel_loop3A_79 = arith.muli %parallel_loop3A_77, %parallel_loop3A_78 : i32
      %parallel_loop3A_80 = vector.broadcast %parallel_loop3A_79 : i32 to vector<16xi32>
      %parallel_loop3A_81 = arith.addi %get3A_16, %parallel_loop3A_80 : vector<16xi32>
      %parallel_loop3A_82 = tpu.vector_load_idx %arg8[%parallel_loop3A_81] : memref<16384xf32, #tpu.memory_space<vmem>>[vector<16xi32>], vector<16xf32>,
      %parallel_loop3A_83 = arith.addi %get3A_18, %parallel_loop3A_80 : vector<16xi32>
      %parallel_loop3A_84 = tpu.vector_load_idx %arg8[%parallel_loop3A_83] : memref<16384xf32, #tpu.memory_space<vmem>>[vector<16xi32>], vector<16xf32>,
      %parallel_loop3A_85 = arith.addi %get3A_20, %parallel_loop3A_80 : vector<16xi32>
      %parallel_loop3A_86 = tpu.vector_load_idx %arg8[%parallel_loop3A_85] : memref<16384xf32, #tpu.memory_space<vmem>>[vector<16xi32>], vector<16xf32>,
      %parallel_loop3A_87 = arith.addi %get3A_22, %parallel_loop3A_80 : vector<16xi32>
      %parallel_loop3A_88 = tpu.vector_load_idx %arg8[%parallel_loop3A_87] : memref<16384xf32, #tpu.memory_space<vmem>>[vector<16xi32>], vector<16xf32>,
      %parallel_loop3A_89 = arith.addi %get3A_24, %parallel_loop3A_80 : vector<16xi32>
      %parallel_loop3A_90 = tpu.vector_load_idx %arg8[%parallel_loop3A_89] : memref<16384xf32, #tpu.memory_space<vmem>>[vector<16xi32>], vector<16xf32>,
      %parallel_loop3A_91 = arith.addi %get3A_26, %parallel_loop3A_80 : vector<16xi32>
      %parallel_loop3A_92 = tpu.vector_load_idx %arg8[%parallel_loop3A_91] : memref<16384xf32, #tpu.memory_space<vmem>>[vector<16xi32>], vector<16xf32>,
      %parallel_loop3A_93 = arith.addi %get3A_28, %parallel_loop3A_80 : vector<16xi32>
      %parallel_loop3A_94 = tpu.vector_load_idx %arg8[%parallel_loop3A_93] : memref<16384xf32, #tpu.memory_space<vmem>>[vector<16xi32>], vector<16xf32>,
      %parallel_loop3A_95 = arith.addi %get3A_30, %parallel_loop3A_80 : vector<16xi32>
      %parallel_loop3A_96 = tpu.vector_load_idx %arg8[%parallel_loop3A_95] : memref<16384xf32, #tpu.memory_space<vmem>>[vector<16xi32>], vector<16xf32>,
      %parallel_loop3A_97 = arith.constant 0 : i32
      %parallel_loop3A_98 = arith.addi %parallel_loop3A_79, %parallel_loop3A_97 : i32
      %parallel_loop3A_99 = arith.index_cast %parallel_loop3A_98 : i32 to index
      %parallel_loop3A_100 = tpu.vector_load %arg11[%parallel_loop3A_99] {strides = array<i32>} : memref<16384xf32, #tpu.memory_space<vmem>>, vector<16xf32>,
      tpu.vector_store %arg11[%parallel_loop3A_99], %parallel_loop3A_82 {strides = array<i32>} : memref<16384xf32, #tpu.memory_space<vmem>>, vector<16xf32>,
      %parallel_loop3A_101 = arith.constant 16 : i32
      %parallel_loop3A_102 = arith.addi %parallel_loop3A_79, %parallel_loop3A_101 : i32
      %parallel_loop3A_103 = arith.index_cast %parallel_loop3A_102 : i32 to index
      %parallel_loop3A_104 = tpu.vector_load %arg11[%parallel_loop3A_103] {strides = array<i32>} : memref<16384xf32, #tpu.memory_space<vmem>>, vector<16xf32>,
      tpu.vector_store %arg11[%parallel_loop3A_103], %parallel_loop3A_84 {strides = array<i32>} : memref<16384xf32, #tpu.memory_space<vmem>>, vector<16xf32>,
      %parallel_loop3A_105 = arith.constant 32 : i32
      %parallel_loop3A_106 = arith.addi %parallel_loop3A_79, %parallel_loop3A_105 : i32
      %parallel_loop3A_107 = arith.index_cast %parallel_loop3A_106 : i32 to index
      %parallel_loop3A_108 = tpu.vector_load %arg11[%parallel_loop3A_107] {strides = array<i32>} : memref<16384xf32, #tpu.memory_space<vmem>>, vector<16xf32>,
      tpu.vector_store %arg11[%parallel_loop3A_107], %parallel_loop3A_86 {strides = array<i32>} : memref<16384xf32, #tpu.memory_space<vmem>>, vector<16xf32>,
      %parallel_loop3A_109 = arith.constant 48 : i32
      %parallel_loop3A_110 = arith.addi %parallel_loop3A_79, %parallel_loop3A_109 : i32
      %parallel_loop3A_111 = arith.index_cast %parallel_loop3A_110 : i32 to index
      %parallel_loop3A_112 = tpu.vector_load %arg11[%parallel_loop3A_111] {strides = array<i32>} : memref<16384xf32, #tpu.memory_space<vmem>>, vector<16xf32>,
      tpu.vector_store %arg11[%parallel_loop3A_111], %parallel_loop3A_88 {strides = array<i32>} : memref<16384xf32, #tpu.memory_space<vmem>>, vector<16xf32>,
      %parallel_loop3A_113 = arith.constant 64 : i32
      %parallel_loop3A_114 = arith.addi %parallel_loop3A_79, %parallel_loop3A_113 : i32
      %parallel_loop3A_115 = arith.index_cast %parallel_loop3A_114 : i32 to index
      %parallel_loop3A_116 = tpu.vector_load %arg11[%parallel_loop3A_115] {strides = array<i32>} : memref<16384xf32, #tpu.memory_space<vmem>>, vector<16xf32>,
      tpu.vector_store %arg11[%parallel_loop3A_115], %parallel_loop3A_90 {strides = array<i32>} : memref<16384xf32, #tpu.memory_space<vmem>>, vector<16xf32>,
      %parallel_loop3A_117 = arith.constant 80 : i32
      %parallel_loop3A_118 = arith.addi %parallel_loop3A_79, %parallel_loop3A_117 : i32
      %parallel_loop3A_119 = arith.index_cast %parallel_loop3A_118 : i32 to index
      %parallel_loop3A_120 = tpu.vector_load %arg11[%parallel_loop3A_119] {strides = array<i32>} : memref<16384xf32, #tpu.memory_space<vmem>>, vector<16xf32>,
      tpu.vector_store %arg11[%parallel_loop3A_119], %parallel_loop3A_92 {strides = array<i32>} : memref<16384xf32, #tpu.memory_space<vmem>>, vector<16xf32>,
      %parallel_loop3A_121 = arith.constant 96 : i32
      %parallel_loop3A_122 = arith.addi %parallel_loop3A_79, %parallel_loop3A_121 : i32
      %parallel_loop3A_123 = arith.index_cast %parallel_loop3A_122 : i32 to index
      %parallel_loop3A_124 = tpu.vector_load %arg11[%parallel_loop3A_123] {strides = array<i32>} : memref<16384xf32, #tpu.memory_space<vmem>>, vector<16xf32>,
      tpu.vector_store %arg11[%parallel_loop3A_123], %parallel_loop3A_94 {strides = array<i32>} : memref<16384xf32, #tpu.memory_space<vmem>>, vector<16xf32>,
      %parallel_loop3A_125 = arith.constant 112 : i32
      %parallel_loop3A_126 = arith.addi %parallel_loop3A_79, %parallel_loop3A_125 : i32
      %parallel_loop3A_127 = arith.index_cast %parallel_loop3A_126 : i32 to index
      %parallel_loop3A_128 = tpu.vector_load %arg11[%parallel_loop3A_127] {strides = array<i32>} : memref<16384xf32, #tpu.memory_space<vmem>>, vector<16xf32>,
      tpu.vector_store %arg11[%parallel_loop3A_127], %parallel_loop3A_96 {strides = array<i32>} : memref<16384xf32, #tpu.memory_space<vmem>>, vector<16xf32>,
    } {sc.loop_unroll_factor = 2 : i64, sc.parallel_access}
    %add3A_56 = arith.constant 32768 : i32
    %add3A_57 = arith.addi %mul3A_4, %add3A_56 : i32
    %dma_start3A_58 = tpu.memref_slice %arg4[%add3A_57] : memref<2097152xf32, #tpu.memory_space<hbm>> -> memref<16384xf32, #tpu.memory_space<hbm>>
    %dma_start3A_59 = tpu.memref_slice %arg4[%add3A_57] : memref<2097152xf32, #tpu.memory_space<hbm>> -> memref<16384xf32, #tpu.memory_space<hbm>>
    tpu.enqueue_dma source(%arg11 : memref<16384xf32, #tpu.memory_space<vmem>>) target(%dma_start3A_59 : memref<16384xf32, #tpu.memory_space<hbm>>) target_semaphore(%arg17 : memref<!tpu.dma_semaphore, #tpu.memory_space<semaphore_mem>>)
    %dma_wait3A_60 = tpu.memref_slice %arg2[%add3A_39] : memref<2097152xf32, #tpu.memory_space<hbm>> -> memref<16384xf32, #tpu.memory_space<hbm>>
    %dma_wait3A_61 = tpu.memref_slice %arg2[%add3A_39] : memref<2097152xf32, #tpu.memory_space<hbm>> -> memref<16384xf32, #tpu.memory_space<hbm>>
    tpu.wait_dma2 semaphore(%arg12 : memref<!tpu.dma_semaphore, #tpu.memory_space<semaphore_mem>>) src(%dma_wait3A_61 : memref<16384xf32, #tpu.memory_space<hbm>>) dst(%arg6 : memref<16384xf32, #tpu.memory_space<vmem>>)
    %dma_wait3A_62 = tpu.memref_slice %arg4[%add3A_35] : memref<2097152xf32, #tpu.memory_space<hbm>> -> memref<16384xf32, #tpu.memory_space<hbm>>
    %dma_wait3A_63 = tpu.memref_slice %arg4[%add3A_35] : memref<2097152xf32, #tpu.memory_space<hbm>> -> memref<16384xf32, #tpu.memory_space<hbm>>
    tpu.wait_dma2 semaphore(%arg15 : memref<!tpu.dma_semaphore, #tpu.memory_space<semaphore_mem>>) src(%arg9 : memref<16384xf32, #tpu.memory_space<vmem>>) dst(%dma_wait3A_63 : memref<16384xf32, #tpu.memory_space<hbm>>)
    %parallel_loop3A_64 = arith.constant 0 : i32
    %parallel_loop3A_65 = arith.constant 128 : i32
    %parallel_loop3A_66 = arith.constant 1 : i32
    scf.for %parallel_loop3A_77 = %parallel_loop3A_64 to %parallel_loop3A_65 step %parallel_loop3A_66  : i32 {
      %parallel_loop3A_78 = arith.constant 128 : i32
      %parallel_loop3A_79 = arith.muli %parallel_loop3A_77, %parallel_loop3A_78 : i32
      %parallel_loop3A_80 = vector.broadcast %parallel_loop3A_79 : i32 to vector<16xi32>
      %parallel_loop3A_81 = arith.addi %get3A_16, %parallel_loop3A_80 : vector<16xi32>
      %parallel_loop3A_82 = tpu.vector_load_idx %arg6[%parallel_loop3A_81] : memref<16384xf32, #tpu.memory_space<vmem>>[vector<16xi32>], vector<16xf32>,
      %parallel_loop3A_83 = arith.addi %get3A_18, %parallel_loop3A_80 : vector<16xi32>
      %parallel_loop3A_84 = tpu.vector_load_idx %arg6[%parallel_loop3A_83] : memref<16384xf32, #tpu.memory_space<vmem>>[vector<16xi32>], vector<16xf32>,
      %parallel_loop3A_85 = arith.addi %get3A_20, %parallel_loop3A_80 : vector<16xi32>
      %parallel_loop3A_86 = tpu.vector_load_idx %arg6[%parallel_loop3A_85] : memref<16384xf32, #tpu.memory_space<vmem>>[vector<16xi32>], vector<16xf32>,
      %parallel_loop3A_87 = arith.addi %get3A_22, %parallel_loop3A_80 : vector<16xi32>
      %parallel_loop3A_88 = tpu.vector_load_idx %arg6[%parallel_loop3A_87] : memref<16384xf32, #tpu.memory_space<vmem>>[vector<16xi32>], vector<16xf32>,
      %parallel_loop3A_89 = arith.addi %get3A_24, %parallel_loop3A_80 : vector<16xi32>
      %parallel_loop3A_90 = tpu.vector_load_idx %arg6[%parallel_loop3A_89] : memref<16384xf32, #tpu.memory_space<vmem>>[vector<16xi32>], vector<16xf32>,
      %parallel_loop3A_91 = arith.addi %get3A_26, %parallel_loop3A_80 : vector<16xi32>
      %parallel_loop3A_92 = tpu.vector_load_idx %arg6[%parallel_loop3A_91] : memref<16384xf32, #tpu.memory_space<vmem>>[vector<16xi32>], vector<16xf32>,
      %parallel_loop3A_93 = arith.addi %get3A_28, %parallel_loop3A_80 : vector<16xi32>
      %parallel_loop3A_94 = tpu.vector_load_idx %arg6[%parallel_loop3A_93] : memref<16384xf32, #tpu.memory_space<vmem>>[vector<16xi32>], vector<16xf32>,
      %parallel_loop3A_95 = arith.addi %get3A_30, %parallel_loop3A_80 : vector<16xi32>
      %parallel_loop3A_96 = tpu.vector_load_idx %arg6[%parallel_loop3A_95] : memref<16384xf32, #tpu.memory_space<vmem>>[vector<16xi32>], vector<16xf32>,
      %parallel_loop3A_97 = arith.constant 0 : i32
      %parallel_loop3A_98 = arith.addi %parallel_loop3A_79, %parallel_loop3A_97 : i32
      %parallel_loop3A_99 = arith.index_cast %parallel_loop3A_98 : i32 to index
      %parallel_loop3A_100 = tpu.vector_load %arg9[%parallel_loop3A_99] {strides = array<i32>} : memref<16384xf32, #tpu.memory_space<vmem>>, vector<16xf32>,
      tpu.vector_store %arg9[%parallel_loop3A_99], %parallel_loop3A_82 {strides = array<i32>} : memref<16384xf32, #tpu.memory_space<vmem>>, vector<16xf32>,
      %parallel_loop3A_101 = arith.constant 16 : i32
      %parallel_loop3A_102 = arith.addi %parallel_loop3A_79, %parallel_loop3A_101 : i32
      %parallel_loop3A_103 = arith.index_cast %parallel_loop3A_102 : i32 to index
      %parallel_loop3A_104 = tpu.vector_load %arg9[%parallel_loop3A_103] {strides = array<i32>} : memref<16384xf32, #tpu.memory_space<vmem>>, vector<16xf32>,
      tpu.vector_store %arg9[%parallel_loop3A_103], %parallel_loop3A_84 {strides = array<i32>} : memref<16384xf32, #tpu.memory_space<vmem>>, vector<16xf32>,
      %parallel_loop3A_105 = arith.constant 32 : i32
      %parallel_loop3A_106 = arith.addi %parallel_loop3A_79, %parallel_loop3A_105 : i32
      %parallel_loop3A_107 = arith.index_cast %parallel_loop3A_106 : i32 to index
      %parallel_loop3A_108 = tpu.vector_load %arg9[%parallel_loop3A_107] {strides = array<i32>} : memref<16384xf32, #tpu.memory_space<vmem>>, vector<16xf32>,
      tpu.vector_store %arg9[%parallel_loop3A_107], %parallel_loop3A_86 {strides = array<i32>} : memref<16384xf32, #tpu.memory_space<vmem>>, vector<16xf32>,
      %parallel_loop3A_109 = arith.constant 48 : i32
      %parallel_loop3A_110 = arith.addi %parallel_loop3A_79, %parallel_loop3A_109 : i32
      %parallel_loop3A_111 = arith.index_cast %parallel_loop3A_110 : i32 to index
      %parallel_loop3A_112 = tpu.vector_load %arg9[%parallel_loop3A_111] {strides = array<i32>} : memref<16384xf32, #tpu.memory_space<vmem>>, vector<16xf32>,
      tpu.vector_store %arg9[%parallel_loop3A_111], %parallel_loop3A_88 {strides = array<i32>} : memref<16384xf32, #tpu.memory_space<vmem>>, vector<16xf32>,
      %parallel_loop3A_113 = arith.constant 64 : i32
      %parallel_loop3A_114 = arith.addi %parallel_loop3A_79, %parallel_loop3A_113 : i32
      %parallel_loop3A_115 = arith.index_cast %parallel_loop3A_114 : i32 to index
      %parallel_loop3A_116 = tpu.vector_load %arg9[%parallel_loop3A_115] {strides = array<i32>} : memref<16384xf32, #tpu.memory_space<vmem>>, vector<16xf32>,
      tpu.vector_store %arg9[%parallel_loop3A_115], %parallel_loop3A_90 {strides = array<i32>} : memref<16384xf32, #tpu.memory_space<vmem>>, vector<16xf32>,
      %parallel_loop3A_117 = arith.constant 80 : i32
      %parallel_loop3A_118 = arith.addi %parallel_loop3A_79, %parallel_loop3A_117 : i32
      %parallel_loop3A_119 = arith.index_cast %parallel_loop3A_118 : i32 to index
      %parallel_loop3A_120 = tpu.vector_load %arg9[%parallel_loop3A_119] {strides = array<i32>} : memref<16384xf32, #tpu.memory_space<vmem>>, vector<16xf32>,
      tpu.vector_store %arg9[%parallel_loop3A_119], %parallel_loop3A_92 {strides = array<i32>} : memref<16384xf32, #tpu.memory_space<vmem>>, vector<16xf32>,
      %parallel_loop3A_121 = arith.constant 96 : i32
      %parallel_loop3A_122 = arith.addi %parallel_loop3A_79, %parallel_loop3A_121 : i32
      %parallel_loop3A_123 = arith.index_cast %parallel_loop3A_122 : i32 to index
      %parallel_loop3A_124 = tpu.vector_load %arg9[%parallel_loop3A_123] {strides = array<i32>} : memref<16384xf32, #tpu.memory_space<vmem>>, vector<16xf32>,
      tpu.vector_store %arg9[%parallel_loop3A_123], %parallel_loop3A_94 {strides = array<i32>} : memref<16384xf32, #tpu.memory_space<vmem>>, vector<16xf32>,
      %parallel_loop3A_125 = arith.constant 112 : i32
      %parallel_loop3A_126 = arith.addi %parallel_loop3A_79, %parallel_loop3A_125 : i32
      %parallel_loop3A_127 = arith.index_cast %parallel_loop3A_126 : i32 to index
      %parallel_loop3A_128 = tpu.vector_load %arg9[%parallel_loop3A_127] {strides = array<i32>} : memref<16384xf32, #tpu.memory_space<vmem>>, vector<16xf32>,
      tpu.vector_store %arg9[%parallel_loop3A_127], %parallel_loop3A_96 {strides = array<i32>} : memref<16384xf32, #tpu.memory_space<vmem>>, vector<16xf32>,
    } {sc.loop_unroll_factor = 2 : i64, sc.parallel_access}
    %add3A_67 = arith.constant 49152 : i32
    %add3A_68 = arith.addi %mul3A_4, %add3A_67 : i32
    %dma_start3A_69 = tpu.memref_slice %arg4[%add3A_68] : memref<2097152xf32, #tpu.memory_space<hbm>> -> memref<16384xf32, #tpu.memory_space<hbm>>
    %dma_start3A_70 = tpu.memref_slice %arg4[%add3A_68] : memref<2097152xf32, #tpu.memory_space<hbm>> -> memref<16384xf32, #tpu.memory_space<hbm>>
    tpu.enqueue_dma source(%arg9 : memref<16384xf32, #tpu.memory_space<vmem>>) target(%dma_start3A_70 : memref<16384xf32, #tpu.memory_space<hbm>>) target_semaphore(%arg15 : memref<!tpu.dma_semaphore, #tpu.memory_space<semaphore_mem>>)
    %dma_wait3A_71 = tpu.memref_slice %arg4[%add3A_68] : memref<2097152xf32, #tpu.memory_space<hbm>> -> memref<16384xf32, #tpu.memory_space<hbm>>
    %dma_wait3A_72 = tpu.memref_slice %arg4[%add3A_68] : memref<2097152xf32, #tpu.memory_space<hbm>> -> memref<16384xf32, #tpu.memory_space<hbm>>
    tpu.wait_dma2 semaphore(%arg15 : memref<!tpu.dma_semaphore, #tpu.memory_space<semaphore_mem>>) src(%arg9 : memref<16384xf32, #tpu.memory_space<vmem>>) dst(%dma_wait3A_72 : memref<16384xf32, #tpu.memory_space<hbm>>)
    %dma_wait3A_73 = tpu.memref_slice %arg4[%add3A_48] : memref<2097152xf32, #tpu.memory_space<hbm>> -> memref<16384xf32, #tpu.memory_space<hbm>>
    %dma_wait3A_74 = tpu.memref_slice %arg4[%add3A_48] : memref<2097152xf32, #tpu.memory_space<hbm>> -> memref<16384xf32, #tpu.memory_space<hbm>>
    tpu.wait_dma2 semaphore(%arg16 : memref<!tpu.dma_semaphore, #tpu.memory_space<semaphore_mem>>) src(%arg10 : memref<16384xf32, #tpu.memory_space<vmem>>) dst(%dma_wait3A_74 : memref<16384xf32, #tpu.memory_space<hbm>>)
    %dma_wait3A_75 = tpu.memref_slice %arg4[%add3A_57] : memref<2097152xf32, #tpu.memory_space<hbm>> -> memref<16384xf32, #tpu.memory_space<hbm>>
    %dma_wait3A_76 = tpu.memref_slice %arg4[%add3A_57] : memref<2097152xf32, #tpu.memory_space<hbm>> -> memref<16384xf32, #tpu.memory_space<hbm>>
    tpu.wait_dma2 semaphore(%arg17 : memref<!tpu.dma_semaphore, #tpu.memory_space<semaphore_mem>>) src(%arg11 : memref<16384xf32, #tpu.memory_space<vmem>>) dst(%dma_wait3A_76 : memref<16384xf32, #tpu.memory_space<hbm>>)
    return
  }
}

</mosaic_0001>

<sc_bundles>
// kernel: kernel.3.cloned.1.call-start
scs
__scs_entry_jumppad:
0x0: {  	(pc) =	sbr.rel $0x88, $3  }
0x1: {  	(tag) =	ssettag $0x0;
	lr =	simm.s32 $0x1  }
0x2: {  	[smem:$0x3F9F] =	sst lr;
	_ =	strace $0xD0000000  }
0x3: {  	_ = 	snop  }
0x4: {  	_ = 	snop  }
0x5: {  	_ = 	snop  }
0x6: {  	_ = 	snop  }
0x7: {  	_ = 	snop  }
__scs_overlays_trampoline_lowered:
0x8: {  	[smem:$0x3FAE] =	sst s0  }
0x9: {  	[smem:$0x3FAF] =	sst s1  }
0xa: {  	[smem:$0x3FB0] =	sst s2  }
0xb: {  	[smem:$0x3FB1] =	sst s3  }
0xc: {  	[smem:$0x3FB2] =	sst s4  }
0xd: {  	[smem:$0x3FB3] =	sst s5  }
0xe: {  	[smem:$0x3FB4] =	sst s6  }
0xf: {  	[smem:$0x3FB5] =	sst s7  }
0x10: {  	[smem:$0x3FB6] =	sst s8  }
0x11: {  	[smem:$0x3FB7] =	sst s9;
	s0 =	simm.s32 @!p0 $0x0  }
0x12: {  	s1 =	sld [smem:$0x3F9D];
	s0 =	simm.s32 @p0 $0x1  }
0x13: {  	[smem:$0x3FB8] =	sst s0;
	s0 =	simm.s32 @!p1 $0x0  }
0x14: {  	s2 =	sld [smem:$0x3F9C];
	s0 =	simm.s32 @p1 $0x1  }
0x15: {  	[smem:$0x3FB9] =	sst s0;
	s0 =	simm.s32 @!p2 $0x0  }
0x16: {  	s3 =	sld [smem:$0x3FDB];
	s0 =	simm.s32 @p2 $0x1  }
0x17: {  	s4 =	simm.s32 $0x1BF5;
	[smem:$0x3FBB] =	sst s0  }
0x18: {  	s0 =	sld [smem:$0x3F9E];
	_ =	swait.ge [sflag:s4], $0x0  }
0x19: {  	s7 =	sld [smem:$0x3F9F]  }
0x1a: {  	s8 =	sadd.s32 $0xFFFFE003, lr  }
0x1b: {  	s9 =	sadd.s32 $0xFFFFFEF7, lr;
	s5 =	simm.s32 $0xFFFFFFFF;
	p2 =	slt.u32 s8, $0xFFFFF086  }
0x1c: {  	p1 =	slt.u32 s9, $0xF7A;
	s5 =	simm.s32 @!p2 $0x0  }
0x1d: {  	s5 =	simm.s32 @p1 $0x1;
	p0 =	seq.s32 s7, s2  }
0x1e: {  	s7 =	smul.u32 @!p0 $0xF7A, s2;
	p2 =	seq.s32 @!p0 s5, $0x0  }
0x1f: {  	s9 =	smul.u32 $0xF7A, s1;
	s8 =	simm.s32 @!p0 $0x1BF5;
	p2 =	por !p2, p0  }
0x20: {  	[sflag:s8] =	ssyncset.s32 @!p0 $0xFFFFF086;
	s6 =	sadd.s32 @!p0 s3, s7;
	s7 =	simm.s32 @!p0 $0x108  }
0x21: {  	s3 =	sadd.s32 s3, s9;
	s6 =	sadd.s32 @!p0 $0x88, s6;
	s7 =	simm.s32 @p2 $0x1082  }
0x22: {  	[simem:s7], [sflag:s8] =	dma.local @!p0 [hbm:s6], $0xF7A  }
0x23: {  	s9 =	sor.u32 $0xD0000000, s2;
	s6 =	simm.s32 $0x108;
	_ =	swait.ge @!p0 [sflag:s8], $0x0  }
0x24: {  	s3 =	sadd.s32 $0x88, s3;
	s6 =	simm.s32 @!p1 $0x1082;
	[sflag:s4] =	ssyncset.s32 $0xFFFFF086  }
0x25: {  	[simem:s6], [sflag:s4] =	dma.local [hbm:s3], $0xF7A  }
0x26: {  	[smem:$0x3F9F] =	sst s1;
	(tag) =	ssettag s2;
	_ =	strace s9  }
0x27: {  	s1 =	sld [smem:$0x3FAF]  }
0x28: {  	s2 =	sld [smem:$0x3FB0]  }
0x29: {  	s4 =	sld [smem:$0x3FB2]  }
0x2a: {  	p0 =	seq.s32 s5, $0x0;
	s5 =	sld [smem:$0x3FB3]  }
0x2b: {  	s6 =	sld [smem:$0x3FB4]  }
0x2c: {  	s7 =	sld [smem:$0x3FB5]  }
0x2d: {  	s3 =	simm.s32 $0x108;
	s8 =	sld [smem:$0x3FB6]  }
0x2e: {  	s3 =	simm.s32 @!p0 $0x1082;
	s9 =	sld [smem:$0x3FB7]  }
0x2f: {  	lr =	sadd.s32 s0, s3;
	s0 =	sld [smem:$0x3FAE]  }
0x30: {  	s3 =	sld [smem:$0x3FB1]  }
0x31: {  	[smem:$0x3FBA] =	sst s10  }
0x32: {  	s10 =	sld [smem:$0x3FB8];
	_ =	sdelay $0x3  }
0x33: {  	p0 =	seq.s32 s10, $0x1;
	s10 =	sld [smem:$0x3FBA];
	_ =	sdelay $0x3  }
0x34: {  	[smem:$0x3FBA] =	sst s10  }
0x35: {  	s10 =	sld [smem:$0x3FB9];
	_ =	sdelay $0x3  }
0x36: {  	p1 =	seq.s32 s10, $0x1;
	s10 =	sld [smem:$0x3FBA];
	_ =	sdelay $0x3  }
0x37: {  	[smem:$0x3FBA] =	sst s10  }
0x38: {  	s10 =	sld [smem:$0x3FBB]  }
0x39: {  	_ = 	snop;
	(pc) =	sbr.ind lr, $3  }
0x3a: {  	_ = 	snop  }
0x3b: {  	_ = 	snop  }
0x3c: {  	p2 =	seq.s32 s10, $0x1;
	s10 =	sld [smem:$0x3FBA]  }
0x3d: {  	_ =	shalt  }
0x3e: {  	_ =	shalt  }
0x3f: {  	_ =	shalt  }
0x40: {  	_ =	shalt  }
0x41: {  	_ =	shalt  }
0x42: {  	_ =	shalt  }
0x43: {  	_ =	shalt  }
0x44: {  	_ =	shalt  }
0x45: {  	_ =	shalt  }
0x46: {  	_ =	shalt  }
0x47: {  	_ =	shalt  }
0x48: {  	_ =	shalt  }
0x49: {  	_ =	shalt  }
0x4a: {  	_ =	shalt  }
0x4b: {  	_ =	shalt  }
0x4c: {  	_ =	shalt  }
0x4d: {  	_ =	shalt  }
0x4e: {  	_ =	shalt  }
0x4f: {  	_ =	shalt  }
0x50: {  	_ =	shalt  }
0x51: {  	_ =	shalt  }
0x52: {  	_ =	shalt  }
0x53: {  	_ =	shalt  }
0x54: {  	_ =	shalt  }
0x55: {  	_ =	shalt  }
0x56: {  	_ =	shalt  }
0x57: {  	_ =	shalt  }
0x58: {  	_ =	shalt  }
0x59: {  	_ =	shalt  }
0x5a: {  	_ =	shalt  }
0x5b: {  	_ =	shalt  }
0x5c: {  	_ =	shalt  }
0x5d: {  	_ =	shalt  }
0x5e: {  	_ =	shalt  }
0x5f: {  	_ =	shalt  }
0x60: {  	_ =	shalt  }
0x61: {  	_ =	shalt  }
0x62: {  	_ =	shalt  }
0x63: {  	_ =	shalt  }
0x64: {  	_ =	shalt  }
0x65: {  	_ =	shalt  }
0x66: {  	_ =	shalt  }
0x67: {  	_ =	shalt  }
0x68: {  	_ =	shalt  }
0x69: {  	_ =	shalt  }
0x6a: {  	_ =	shalt  }
0x6b: {  	_ =	shalt  }
0x6c: {  	_ =	shalt  }
0x6d: {  	_ =	shalt  }
0x6e: {  	_ =	shalt  }
0x6f: {  	_ =	shalt  }
0x70: {  	_ =	shalt  }
0x71: {  	_ =	shalt  }
0x72: {  	_ =	shalt  }
0x73: {  	_ =	shalt  }
0x74: {  	_ =	shalt  }
0x75: {  	_ =	shalt  }
0x76: {  	_ =	shalt  }
0x77: {  	_ =	shalt  }
0x78: {  	_ =	shalt  }
0x79: {  	_ =	shalt  }
0x7a: {  	_ =	shalt  }
0x7b: {  	_ =	shalt  }
0x7c: {  	_ =	shalt  }
0x7d: {  	_ =	shalt  }
0x7e: {  	_ =	shalt  }
0x7f: {  	_ =	shalt  }
0x80: {  	_ =	shalt  }
0x81: {  	_ =	shalt  }
0x82: {  	_ =	shalt  }
0x83: {  	_ =	shalt  }
0x84: {  	_ =	shalt  }
0x85: {  	_ =	shalt  }
0x86: {  	_ =	shalt  }
0x87: {  	_ =	shalt  }
.Lfunc_end0:
.L_simem_size_0:
called_computation_lowered:
.L_overlay_start_0:
0x88: {  	s2 =	sld [smem:$0x3FD9]  }
0x89: {  	s3 =	sld [smem:$0x3FFE];
	_ =	sdelay $0x1  }
0x8a: {  	s1 =	srdreg.scid  }
0x8b: {  	s0 =	sand.u32 $0x1, s1  }
0x8c: {  	s18 =	sshll.u32 s0, $0xA;
	s2 =	sadd.s32 s3, s2  }
0x8d: {  	s2 =	sadd.s32 s2, s18  }
0x8e: {  	[smem:$0x3FC6] =	sst s2  }
0x8f: {  	_ = 	snop  }
0x90: {  	s2 =	sld [smem:$0x3FC9]  }
0x91: {  	s19 =	sld [smem:$0x3FC8]  }
0x92: {  	s4 =	sld [smem:$0x3FD0];
	(tm) =	ssettm $0x1  }
0x93: {  	s5 =	sld [smem:$0x3FFB];
	_ =	sdelay $0x3  }
0x94: {  	_ =	strace s5  }
0x95: {  	s5 =	sld [smem:$0x3FFC];
	_ =	sdelay $0x3  }
0x96: {  	_ =	strace s5  }
0x97: {  	s5 =	sld [smem:$0x3FFD];
	_ =	sdelay $0x3  }
0x98: {  	_ =	strace s5  }
0x99: {  	_ =	strace $0x8FFFFFFF  }
0x9a: {  	s20 =	sld [smem:$0x3FDB];
	_ =	sdelay $0x1  }
0x9b: {  	s6 =	simm.s32 $_scs_section_size  }
0x9c: {  	s7 =	simm.s32 $_size__tile_overlayer_lowered;
	s8 =	simm.s32 $_tile_overlayer_lowered  }
0x9d: {  	s23 =	simm.s32 $0x1BFF;
	s22 =	sshll.u32 s8, $0x1;
	s5 =	sadd.s32 s6, s20  }
0x9e: {  	s9 =	simm.s32 $0x0;
	s21 =	sshll.u32 s7, $0x1;
	s7 =	sadd.s32 s22, s5  }
0x9f: {  	[timem:s9], [sflag:s23] =	dma.local [hbm:s7], s21  }
0xa0: {  	_ =	swait.ge [sflag:s23], s21  }
0xa1: {  	s6 =	ssub.s32 $0x0, s21;
	[sflag:s23] =	ssyncset.done $0x0  }
0xa2: {  	[sflag:s23] =	ssyncadd.s32 s6;
	_ =	sdelay $0x1  }
0xa3: {  	s24 =	simm.s32 $0x1B8B  }
0xa4: {  	_ =	swait.ge [sflag:s24], $0x1  }
0xa5: {  	[sflag:s24] =	ssyncset.done $0x0  }
0xa6: {  	s25 =	simm.s32 $0x1B8E;
	[sflag:s24] =	ssyncadd.s32 $0xFFFFFFFF  }
0xa7: {  	s26 =	simm.s32 $execute0_lowered;
	[smem:$0x3FD2] =	sst s25  }
0xa8: {  	s6 =	sshll.u32 s26, $0x1;
	_ =	strace $0x80000046;
	[dreg:$0x1] =	wrdreg $0xFFFFFFFF  }
0xa9: {  	s28 =	simm.s32 $_size_execute0_lowered;
	s5 =	sadd.s32 s5, s6;
	[dreg:$0x0] =	wrdreg $0x0  }
0xaa: {  	s6 =	sshll.u32 s28, $0x1;
	[dreg:$0x2] =	wrdreg s5  }
0xab: {  	[dreg:$0x3] =	wrdreg s6  }
0xac: {  	[dreg:$0x4] =	wrdreg $0xC0  }
0xad: {  	_ =	task [dreg:s9], $0x5FFFF  }
0xae: {  	[dreg:$0x1] =	wrdreg $0xFFFFFFFF  }
0xaf: {  	[dreg:$0x0] =	wrdreg $0x60  }
0xb0: {  	[dreg:$0x2] =	wrdreg s2  }
0xb1: {  	[dreg:$0x3] =	wrdreg s19  }
0xb2: {  	[dreg:$0x4] =	wrdreg s4  }
0xb3: {  	[dreg:$0x5] =	wrdreg $0x9  }
0xb4: {  	_ =	task.clear_ibuf [dreg:s9], $0x6FFFF;
	_ =	strace $0x90000046  }
0xb5: {  	s29 =	simm.s32 $0x9;
	_ =	strace $0x80000048  }
0xb6: {  	_ =	swait.ge [sflag:s29], $0x1  }
0xb7: {  	[sflag:s29] =	ssyncadd.s32 $0xFFFFFFFF  }
0xb8: {  	_ =	strace $0x90000048  }
0xb9: {  	_ =	sfence  }
0xba: {  	s30 =	sld [smem:$0x0];
	_ =	sdelay $0x2  }
0xbb: {  	s31 =	sshll.u32 s1, $0xD;
	s1 =	sshrl.u32 s1, $0x2  }
0xbc: {  	s3 =	sand.u32 $0x4000, s31;
	s1 =	sadd.s32 s1, s30  }
0xbd: {  	s0 =	sor.u32 s3, s0;
	s1 =	sshll.u32 s1, $0x11  }
0xbe: {  	s0 =	sor.u32 s1, s0  }
0xbf: {  	s0 =	sadd.s32 $0x8F2B, s0  }
0xc0: {  	[sflag:s0] =	ssyncadd.remote.s32 $0x1  }
0xc1: {  	_ =	sfence.sel $0xFFFF  }
0xc2: {  	[dreg:$0x0] =	wrdreg $0xFFFFFFFF;
	(pc) =	sbr.abs _section_cstart, $3  }
0xc3: {  	[dreg:$0x1] =	wrdreg $0xFFFFFFFF  }
0xc4: {  	_ =	task.clear_ibuf [dreg:s9], $0x2FFFF;
	_ =	strace $0x9FFFFFFF  }
0xc5: {  	(tm) =	ssettm $0x7FFFFFFF  }
tec
execute0_lowered:
.L_overlay_start_1:
0x0: {  	(tag) =	ssettag $0x1  }
0x1: {  	s8 =	rddreg [dreg:$0x0]  }
0x2: {  	s1 =	rddreg [dreg:$0x1]  }
0x3: {  	s11 =	rddreg [dreg:$0x2]  }
0x4: {  	s0 =	rddreg [dreg:$0x3];
	s3 =	simm.s32 $0x0;
	s4 =	srdreg.scid  }
0x5: {  	s2 =	stileid.u32;
	s15 =	simm.s32 $0x8080;
	s16 =	simm.s32 $0x7  }
0x6: {  	s17 =	simm.s32 $0x1;
	s18 =	simm.s32 $0xC080;
	s19 =	simm.s32 $0x2  }
0x7: {  	s20 =	simm.s32 $0x10080;
	s21 =	simm.s32 $0x3;
	s22 =	simm.s32 $0x14080  }
0x8: {  	s23 =	simm.s32 $0x4;
	s24 =	simm.s32 $0x5;
	s25 =	simm.s32 $0x6  }
0x9: {  	s26 =	simm.s32 $0x0;
	[smem:$0x7FF] =	sst s3;
	s4 =	sand.u32 $0x1, s4  }
0xa: {  	s6 =	sshll.u32 s2, $0xE;
	s5 =	ssub.s32 $0x2, s4;
	s4 =	sshll.u32 s4, $0xD  }
0xb: {  	_ =	strace $0x80000047;
	s7 =	sshrl.u32 s5, $0x1;
	s9 =	sor.u32 s4, s6  }
0xc: {  	s12 =	ssub.s32 s5, s7;
	s4 =	sadd.s32 s8, s9;
	s10 =	sor.u32 $0x800, s9  }
0xd: {  	s13 =	sor.u32 $0x1000, s9;
	s14 =	sor.u32 $0x1800, s9;
	s7 =	sadd.s32 s11, s9  }
0xe: {  	s5 =	sadd.s32 s8, s10;
	s6 =	sadd.s32 s8, s13;
	s8 =	sadd.s32 s8, s14  }
0xf: {  	s9 =	sadd.s32 s11, s10;
	s10 =	sadd.s32 s11, s13;
	s11 =	sadd.s32 s11, s14  }
0x10: {  	s12 =	smax.u32 s12, $0x1;
	s13 =	simm.s32 $0x80;
	s14 =	simm.s32 $0x4080  }
.LBB2_1:
0x11: {  	[tilespmem:s13], [sflag:$0x1] =	stream.linear.gather [hbm4b:s4+s3], $0x4000, $0x38;
	[tilespmem:$0x18080] =	vst v63  }
0x12: {  	_ = 	snop  }
0x13: {  	[tilespmem:s14], [sflag:$0x2] =	stream.linear.gather [hbm4b:s5+s3], $0x4000, $0x38;
	[tilespmem:$0x18080] =	vst v63  }
0x14: {  	_ = 	snop  }
0x15: {  	[tilespmem:s15], [sflag:$0x3] =	stream.linear.gather [hbm4b:s6+s3], $0x4000, $0x38;
	[tilespmem:$0x18080] =	vst v63  }
0x16: {  	_ = 	snop  }
0x17: {  	[tilespmem:s3], [sflag:$0x7] =	stream.linear.gather [hbm4b:s1+s3], $0x80, $0x38;
	[tilespmem:$0x18080] =	vst v63  }
0x18: {  	_ =	swait.ge [sflag:s16], $0x80  }
0x19: {  	[sflag:s16] =	ssyncset.done $0x0  }
0x1a: {  	[sflag:s16] =	ssyncadd.s32 $0xFFFFFF80  }
0x1b: {  	v0 =	vld [tilespmem:$0x0]  }
0x1c: {  	v1 =	vld [tilespmem:$0x10]  }
0x1d: {  	v2 =	vld [tilespmem:$0x20]  }
0x1e: {  	v3 =	vld [tilespmem:$0x30]  }
0x1f: {  	v4 =	vld [tilespmem:$0x40]  }
0x20: {  	v5 =	vld [tilespmem:$0x50]  }
0x21: {  	v6 =	vld [tilespmem:$0x60]  }
0x22: {  	v7 =	vld [tilespmem:$0x70];
	_ =	swait.ge [sflag:s17], $0x4000  }
0x23: {  	[sflag:s17] =	ssyncset.done $0x0  }
0x24: {  	[sflag:s17] =	ssyncadd.s32 $0xFFFFC000  }
0x25: {  	v14 =	vld.idx.msk [tilespmem:v1+s13+$0x0], $0xffff  }
0x26: {  	v13 =	vld.idx.msk [tilespmem:v2+s13+$0x0], $0xffff  }
0x27: {  	s28 =	simm.s32 $0x80;
	v8 =	vld.idx.msk [tilespmem:v3+s13+$0x0], $0xffff  }
0x28: {  	v15 =	vadd.s32 s28, v0;
	v9 =	vld.idx.msk [tilespmem:v4+s13+$0x0], $0xffff  }
0x29: {  	v16 =	vadd.s32 s28, v7;
	v10 =	vld.idx.msk [tilespmem:v5+s13+$0x0], $0xffff  }
0x2a: {  	v17 =	vadd.s32 s28, v1;
	v11 =	vld.idx.msk [tilespmem:v6+s13+$0x0], $0xffff  }
0x2b: {  	v18 =	vadd.s32 s28, v2;
	v12 =	vld.idx.msk [tilespmem:v7+s13+$0x0], $0xffff  }
0x2c: {  	v19 =	vadd.s32 s28, v3;
	v22 =	vld.idx.msk [tilespmem:v0+s13+$0x0], $0xffff  }
0x2d: {  	v20 =	vadd.s32 s28, v4;
	v25 =	vld.idx.msk [tilespmem:v15+s13+$0x0], $0xffff  }
0x2e: {  	v21 =	vadd.s32 s28, v5;
	v24 =	vld.idx.msk [tilespmem:v16+s13+$0x0], $0xffff  }
0x2f: {  	v23 =	vadd.s32 s28, v6;
	v15 =	vadd.s32 $0x100, v1;
	v27 =	vld.idx.msk [tilespmem:v17+s13+$0x0], $0xffff  }
0x30: {  	v16 =	vadd.s32 $0x100, v2;
	v28 =	vld.idx.msk [tilespmem:v18+s13+$0x0], $0xffff;
	v26 =	vadd.s32 s3, v15  }
0x31: {  	v17 =	vadd.s32 $0x100, v3;
	v30 =	vld.idx.msk [tilespmem:v19+s13+$0x0], $0xffff;
	v29 =	vadd.s32 s3, v16  }
0x32: {  	v18 =	vadd.s32 $0x100, v4;
	v33 =	vld.idx.msk [tilespmem:v20+s13+$0x0], $0xffff;
	v31 =	vadd.s32 s3, v17  }
0x33: {  	v19 =	vadd.s32 $0x100, v5;
	v36 =	vld.idx.msk [tilespmem:v21+s13+$0x0], $0xffff;
	v32 =	vadd.s32 s3, v18  }
0x34: {  	s28 =	simm.s32 $0xC100;
	v21 =	vadd.s32 $0x100, v6;
	v44 =	vld.idx.msk [tilespmem:v23+s13+$0x0], $0xffff;
	v34 =	vadd.s32 s3, v19  }
0x35: {  	v23 =	vadd.s32 $0x100, v7;
	v37 =	vadd.s32 s3, v21;
	[tilespmem:s28+$0x70] =	vst v24;
	v20 =	vld.idx.msk [tilespmem:v26+s13+$0x0], $0xffff  }
0x36: {  	v42 =	vadd.s32 s3, v23;
	[tilespmem:s28+$0x0] =	vst v25;
	v26 =	vadd.s32 $0x100, v0;
	v24 =	vld.idx.msk [tilespmem:v29+s13+$0x0], $0xffff  }
0x37: {  	s29 =	simm.s32 $0x100;
	[tilespmem:s28+$0x10] =	vst v27;
	v25 =	vld.idx.msk [tilespmem:v31+s13+$0x0], $0xffff;
	v45 =	vadd.s32 s3, v26  }
0x38: {  	s31 =	simm.s32 $0x180;
	v39 =	vadd.s32 s29, v15;
	[tilespmem:s28+$0x20] =	vst v28;
	v27 =	vld.idx.msk [tilespmem:v32+s13+$0x0], $0xffff  }
0x39: {  	v40 =	vadd.s32 s31, v0;
	v41 =	vadd.s32 s31, v7;
	[tilespmem:s28+$0x30] =	vst v30;
	v28 =	vld.idx.msk [tilespmem:v34+s13+$0x0], $0xffff  }
0x3a: {  	v43 =	vadd.s32 s31, v1;
	v35 =	vadd.s32 s29, v17;
	[tilespmem:s28+$0x40] =	vst v33;
	v33 =	vadd.s32 s29, v21;
	v29 =	vld.idx.msk [tilespmem:v37+s13+$0x0], $0xffff  }
0x3b: {  	[tilespmem:s28+$0x50] =	vst v36;
	v36 =	vadd.s32 s29, v23;
	v31 =	vadd.s32 s29, v16;
	v32 =	vadd.s32 s29, v18;
	v30 =	vld.idx.msk [tilespmem:v42+s13+$0x0], $0xffff  }
0x3c: {  	s30 =	simm.s32 $0x2;
	[tilespmem:s28+$0x60] =	vst v44;
	v34 =	vadd.s32 s29, v19;
	v42 =	vadd.s32 s31, v2;
	v38 =	vadd.s32 s29, v26;
	v37 =	vld.idx.msk [tilespmem:v45+s13+$0x0], $0xffff  }
.LBB2_2:
0x3d: {  	v39 =	vld.idx.msk [tilespmem:v39+s13+$0x0], $0xffff;
	v44 =	vadd.s32 s31, v3;
	[tilespmem:s28+$0xFFFFFF80] =	vst v22;
	v45 =	vmov v38  }
0x3e: {  	v38 =	vld.idx.msk [tilespmem:v40+s13+$0x0], $0xffff;
	v40 =	vadd.s32 s31, v4;
	[tilespmem:s28+$0xFFFFFF90] =	vst v14;
	v14 =	vmov v20  }
0x3f: {  	v46 =	vadd.s32 s31, v5;
	v41 =	vld.idx.msk [tilespmem:v41+s13+$0x0], $0xffff;
	[tilespmem:s28+$0xFFFFFFA0] =	vst v13;
	v13 =	vmov v24  }
0x40: {  	v24 =	vadd.s32 s31, v6;
	v43 =	vld.idx.msk [tilespmem:v43+s13+$0x0], $0xffff;
	[tilespmem:s28+$0xFFFFFFB0] =	vst v8;
	v8 =	vmov v25  }
0x41: {  	v42 =	vld.idx.msk [tilespmem:v42+s13+$0x0], $0xffff;
	[tilespmem:s28+$0xFFFFFFC0] =	vst v9;
	v9 =	vmov v27  }
0x42: {  	v22 =	vmov v37;
	v44 =	vld.idx.msk [tilespmem:v44+s13+$0x0], $0xffff;
	[tilespmem:s28+$0xFFFFFFD0] =	vst v10;
	v10 =	vmov v28  }
0x43: {  	v20 =	vmov v39;
	v37 =	vld.idx.msk [tilespmem:v40+s13+$0x0], $0xffff;
	[tilespmem:s28+$0xFFFFFFE0] =	vst v11;
	v11 =	vmov v29  }
0x44: {  	v46 =	vld.idx.msk [tilespmem:v46+s13+$0x0], $0xffff;
	[tilespmem:s28+$0xFFFFFFF0] =	vst v12;
	s28 =	sadd.s32 $0x100, s28;
	v12 =	vmov v30  }
0x45: {  	v47 =	vld.idx.msk [tilespmem:v24+s13+$0x0], $0xffff;
	[tilespmem:s28+$0x70] =	vst v41  }
0x46: {  	s30 =	sadd.s32 $0x2, s30;
	v24 =	vld.idx.msk [tilespmem:v31+s13+$0x0], $0xffff;
	[tilespmem:s28+$0x0] =	vst v38  }
0x47: {  	s29 =	sadd.s32 $0x100, s29;
	p0 =	slt.u32 s30, $0x7E;
	v25 =	vld.idx.msk [tilespmem:v35+s13+$0x0], $0xffff;
	[tilespmem:s28+$0x10] =	vst v43  }
.Ltmp0:
0x48: {  	s31 =	sadd.s32 $0x80, s29;
	v39 =	vadd.s32 s29, v15;
	v38 =	vadd.s32 s29, v26;
	v31 =	vadd.s32 s29, v16;
	v27 =	vld.idx.msk [tilespmem:v32+s13+$0x0], $0xffff;
	[tilespmem:s28+$0x20] =	vst v42;
	(pc) =	sbr.rel @p0 .LBB2_2-.Ltmp0, $4  }
0x49: {  	v40 =	vadd.s32 s31, v0;
	v35 =	vadd.s32 s29, v17;
	v32 =	vadd.s32 s29, v18;
	v28 =	vld.idx.msk [tilespmem:v34+s13+$0x0], $0xffff;
	[tilespmem:s28+$0x30] =	vst v44  }
0x4a: {  	v41 =	vadd.s32 s31, v7;
	v34 =	vadd.s32 s29, v19;
	v29 =	vld.idx.msk [tilespmem:v33+s13+$0x0], $0xffff;
	v33 =	vadd.s32 s29, v21;
	[tilespmem:s28+$0x40] =	vst v37  }
0x4b: {  	v43 =	vadd.s32 s31, v1;
	v30 =	vld.idx.msk [tilespmem:v36+s13+$0x0], $0xffff;
	v36 =	vadd.s32 s29, v23;
	[tilespmem:s28+$0x50] =	vst v46  }
0x4c: {  	v42 =	vadd.s32 s31, v2;
	v37 =	vld.idx.msk [tilespmem:v45+s13+$0x0], $0xffff;
	[tilespmem:s28+$0x60] =	vst v47  }
0x4d: {  	[tilespmem:s28+$0xFFFFFF80] =	vst v22  }
0x4e: {  	[tilespmem:s28+$0xFFFFFF90] =	vst v14  }
0x4f: {  	[tilespmem:s28+$0xFFFFFFA0] =	vst v13  }
0x50: {  	[tilespmem:s28+$0xFFFFFFB0] =	vst v8  }
0x51: {  	[tilespmem:s28+$0xFFFFFFC0] =	vst v9  }
0x52: {  	[tilespmem:s28+$0xFFFFFFD0] =	vst v10  }
0x53: {  	[tilespmem:s28+$0xFFFFFFE0] =	vst v11  }
0x54: {  	[tilespmem:s28+$0xFFFFFFF0] =	vst v12;
	s28 =	sadd.s32 $0x100, s28  }
0x55: {  	v15 =	vadd.s32 s31, v3;
	[tilespmem:s28+$0xFFFFFF90] =	vst v20  }
0x56: {  	v16 =	vld.idx.msk [tilespmem:v40+s13+$0x0], $0xffff;
	v17 =	vadd.s32 s31, v4;
	[tilespmem:s28+$0xFFFFFFA0] =	vst v24  }
0x57: {  	v14 =	vadd.s32 s31, v5;
	v18 =	vld.idx.msk [tilespmem:v41+s13+$0x0], $0xffff;
	[tilespmem:s28+$0xFFFFFFB0] =	vst v25  }
0x58: {  	v13 =	vld.idx.msk [tilespmem:v43+s13+$0x0], $0xffff;
	v19 =	vadd.s32 s31, v6;
	[tilespmem:s28+$0xFFFFFFC0] =	vst v27  }
0x59: {  	v8 =	vld.idx.msk [tilespmem:v42+s13+$0x0], $0xffff;
	[tilespmem:s28+$0xFFFFFFD0] =	vst v28  }
0x5a: {  	[tilespmem:s28+$0xFFFFFFE0] =	vst v29;
	v9 =	vld.idx.msk [tilespmem:v15+s13+$0x0], $0xffff  }
0x5b: {  	[tilespmem:s28+$0xFFFFFFF0] =	vst v30;
	v10 =	vld.idx.msk [tilespmem:v17+s13+$0x0], $0xffff  }
0x5c: {  	[tilespmem:s28+$0xFFFFFF80] =	vst v37;
	v11 =	vld.idx.msk [tilespmem:v14+s13+$0x0], $0xffff  }
0x5d: {  	v12 =	vld.idx.msk [tilespmem:v19+s13+$0x0], $0xffff;
	[tilespmem:s28+$0x70] =	vst v18  }
0x5e: {  	[tilespmem:s28+$0x0] =	vst v16  }
0x5f: {  	[tilespmem:s28+$0x10] =	vst v13  }
0x60: {  	[tilespmem:s28+$0x20] =	vst v8  }
0x61: {  	[tilespmem:s28+$0x30] =	vst v9  }
0x62: {  	[tilespmem:s28+$0x40] =	vst v10  }
0x63: {  	[tilespmem:s28+$0x50] =	vst v11  }
0x64: {  	s30 =	simm.s32 $0x0;
	[tilespmem:s28+$0x60] =	vst v12;
	s28 =	simm.s32 $0x80  }
0x65: {  	[hbm4b:s7+s30] =	stream.linear.scatter [tilespmem:s18], [sflag:$0x4], $0x4000, $0x38;
	[tilespmem:$0x18080] =	vst v63  }
0x66: {  	v8 =	vadd.s32 s28, v0  }
0x67: {  	v9 =	vadd.s32 s28, v7;
	[tilespmem:s13], [sflag:$0x1] =	stream.linear.gather [hbm4b:s8+s30], $0x4000, $0x38;
	[tilespmem:$0x18080] =	vst v63  }
0x68: {  	v10 =	vadd.s32 s28, v1;
	_ =	swait.ge [sflag:s19], $0x4000  }
0x69: {  	v11 =	vadd.s32 s28, v2;
	[sflag:s19] =	ssyncset.done $0x0  }
0x6a: {  	v12 =	vadd.s32 s28, v3;
	[sflag:s19] =	ssyncadd.s32 $0xFFFFC000  }
0x6b: {  	v13 =	vadd.s32 s28, v5;
	v16 =	vld.idx.msk [tilespmem:v8+s14+$0x0], $0xffff  }
0x6c: {  	v17 =	vadd.s32 s30, v1;
	v9 =	vld.idx.msk [tilespmem:v9+s14+$0x0], $0xffff  }
0x6d: {  	v21 =	vld.idx.msk [tilespmem:v10+s14+$0x0], $0xffff;
	v10 =	vadd.s32 s28, v6  }
0x6e: {  	v8 =	vadd.s32 s28, v4;
	v20 =	vld.idx.msk [tilespmem:v11+s14+$0x0], $0xffff  }
0x6f: {  	v11 =	vadd.s32 s30, v0;
	v19 =	vld.idx.msk [tilespmem:v12+s14+$0x0], $0xffff  }
0x70: {  	v15 =	vld.idx.msk [tilespmem:v13+s14+$0x0], $0xffff  }
0x71: {  	v22 =	vadd.s32 s30, v2;
	v13 =	vld.idx.msk [tilespmem:v17+s14+$0x0], $0xffff  }
0x72: {  	v14 =	vld.idx.msk [tilespmem:v10+s14+$0x0], $0xffff;
	v10 =	vadd.s32 s30, v3  }
0x73: {  	s28 =	simm.s32 $0x10100;
	v18 =	vld.idx.msk [tilespmem:v8+s14+$0x0], $0xffff;
	v8 =	vadd.s32 s30, v4  }
0x74: {  	[tilespmem:s28+$0x70] =	vst v9;
	v17 =	vld.idx.msk [tilespmem:v11+s14+$0x0], $0xffff;
	v11 =	vadd.s32 s30, v5  }
0x75: {  	v12 =	vadd.s32 s30, v6;
	[tilespmem:s28+$0x0] =	vst v16  }
0x76: {  	s29 =	simm.s32 $0x0;
	v9 =	vadd.s32 s30, v7;
	v16 =	vld.idx.msk [tilespmem:v22+s14+$0x0], $0xffff;
	[tilespmem:s28+$0x10] =	vst v21;
	s30 =	simm.s32 $0x100  }
.LBB2_4:
0x77: {  	v21 =	vadd.s32 s30, v1;
	v22 =	vadd.s32 s30, v2;
	s31 =	sadd.s32 $0x80, s30;
	v23 =	vld.idx.msk [tilespmem:v10+s14+$0x0], $0xffff;
	v10 =	vadd.s32 s30, v3;
	[tilespmem:s28+$0x20] =	vst v20  }
0x78: {  	v20 =	vadd.s32 s30, v5;
	s29 =	sadd.s32 $0x2, s29;
	v24 =	vadd.s32 s31, v0;
	v25 =	vld.idx.msk [tilespmem:v8+s14+$0x0], $0xffff;
	v8 =	vadd.s32 s30, v4;
	[tilespmem:s28+$0x30] =	vst v19  }
0x79: {  	v26 =	vadd.s32 s30, v7;
	v19 =	vadd.s32 s30, v6;
	v27 =	vadd.s32 s31, v7;
	p0 =	slt.u32 s29, $0x7E;
	v28 =	vld.idx.msk [tilespmem:v11+s14+$0x0], $0xffff;
	[tilespmem:s28+$0x40] =	vst v18;
	v11 =	vmovc v20  }
0x7a: {  	v29 =	vadd.s32 s30, v0;
	v18 =	vadd.s32 s31, v1;
	v30 =	vld.idx.msk [tilespmem:v12+s14+$0x0], $0xffff;
	[tilespmem:s28+$0x50] =	vst v15;
	v12 =	vmov v19  }
0x7b: {  	v15 =	vadd.s32 s31, v2;
	v31 =	vld.idx.msk [tilespmem:v9+s14+$0x0], $0xffff;
	[tilespmem:s28+$0x60] =	vst v14;
	v9 =	vmov v26  }
0x7c: {  	v19 =	vadd.s32 s31, v3;
	v14 =	vld.idx.msk [tilespmem:v21+s14+$0x0], $0xffff;
	[tilespmem:s28+$0xFFFFFF80] =	vst v17  }
0x7d: {  	v17 =	vadd.s32 s31, v4;
	v21 =	vld.idx.msk [tilespmem:v24+s14+$0x0], $0xffff;
	[tilespmem:s28+$0xFFFFFF90] =	vst v13  }
0x7e: {  	v24 =	vadd.s32 s31, v5;
	v26 =	vld.idx.msk [tilespmem:v27+s14+$0x0], $0xffff;
	[tilespmem:s28+$0xFFFFFFA0] =	vst v16  }
0x7f: {  	v16 =	vadd.s32 s31, v6;
	v27 =	vld.idx.msk [tilespmem:v18+s14+$0x0], $0xffff;
	[tilespmem:s28+$0xFFFFFFB0] =	vst v23  }
0x80: {  	v20 =	vld.idx.msk [tilespmem:v15+s14+$0x0], $0xffff;
	[tilespmem:s28+$0xFFFFFFC0] =	vst v25  }
0x81: {  	v19 =	vld.idx.msk [tilespmem:v19+s14+$0x0], $0xffff;
	[tilespmem:s28+$0xFFFFFFD0] =	vst v28  }
.Ltmp1:
0x82: {  	v13 =	vmov v14;
	v18 =	vld.idx.msk [tilespmem:v17+s14+$0x0], $0xffff;
	[tilespmem:s28+$0xFFFFFFE0] =	vst v30;
	(pc) =	sbr.rel @p0 .LBB2_4-.Ltmp1, $4  }
0x83: {  	v15 =	vld.idx.msk [tilespmem:v24+s14+$0x0], $0xffff;
	[tilespmem:s28+$0xFFFFFFF0] =	vst v31;
	s28 =	sadd.s32 $0x100, s28  }
0x84: {  	v14 =	vld.idx.msk [tilespmem:v16+s14+$0x0], $0xffff;
	[tilespmem:s28+$0x70] =	vst v26  }
0x85: {  	v17 =	vld.idx.msk [tilespmem:v29+s14+$0x0], $0xffff;
	[tilespmem:s28+$0x0] =	vst v21  }
0x86: {  	s30 =	sadd.s32 $0x100, s30;
	v16 =	vld.idx.msk [tilespmem:v22+s14+$0x0], $0xffff;
	[tilespmem:s28+$0x10] =	vst v27  }
0x87: {  	_ =	sdelay $0x3  }
0x88: {  	v10 =	vld.idx.msk [tilespmem:v10+s14+$0x0], $0xffff  }
0x89: {  	[tilespmem:s28+$0x20] =	vst v20;
	v8 =	vld.idx.msk [tilespmem:v8+s14+$0x0], $0xffff  }
0x8a: {  	[tilespmem:s28+$0x30] =	vst v19;
	v11 =	vld.idx.msk [tilespmem:v11+s14+$0x0], $0xffff  }
0x8b: {  	[tilespmem:s28+$0x40] =	vst v18;
	v12 =	vld.idx.msk [tilespmem:v12+s14+$0x0], $0xffff  }
0x8c: {  	v9 =	vld.idx.msk [tilespmem:v9+s14+$0x0], $0xffff;
	[tilespmem:s28+$0xFFFFFF90] =	vst v13  }
0x8d: {  	[tilespmem:s28+$0x50] =	vst v15  }
0x8e: {  	[tilespmem:s28+$0x60] =	vst v14  }
0x8f: {  	[tilespmem:s28+$0xFFFFFF80] =	vst v17  }
0x90: {  	[tilespmem:s28+$0xFFFFFFA0] =	vst v16  }
0x91: {  	[tilespmem:s28+$0xFFFFFFB0] =	vst v10  }
0x92: {  	[tilespmem:s28+$0xFFFFFFC0] =	vst v8  }
0x93: {  	[tilespmem:s28+$0xFFFFFFD0] =	vst v11  }
0x94: {  	s29 =	simm.s32 $0x80;
	[tilespmem:s28+$0xFFFFFFE0] =	vst v12  }
0x95: {  	s30 =	simm.s32 $0x0;
	[tilespmem:s28+$0xFFFFFFF0] =	vst v9;
	v8 =	vadd.s32 s29, v0  }
0x96: {  	v9 =	vadd.s32 s29, v7;
	[hbm4b:s9+s30] =	stream.linear.scatter [tilespmem:s20], [sflag:$0x5], $0x4000, $0x38;
	[tilespmem:$0x18080] =	vst v63  }
0x97: {  	v10 =	vadd.s32 s29, v1;
	_ =	swait.ge [sflag:s21], $0x4000  }
0x98: {  	v11 =	vadd.s32 s29, v2;
	[sflag:s21] =	ssyncset.done $0x0  }
0x99: {  	v12 =	vadd.s32 s29, v3;
	[sflag:s21] =	ssyncadd.s32 $0xFFFFC000  }
0x9a: {  	v13 =	vadd.s32 s29, v5;
	v16 =	vld.idx.msk [tilespmem:v8+s15+$0x0], $0xffff  }
0x9b: {  	v17 =	vadd.s32 s30, v1;
	v9 =	vld.idx.msk [tilespmem:v9+s15+$0x0], $0xffff  }
0x9c: {  	v21 =	vld.idx.msk [tilespmem:v10+s15+$0x0], $0xffff;
	v10 =	vadd.s32 s29, v6  }
0x9d: {  	v8 =	vadd.s32 s29, v4;
	v20 =	vld.idx.msk [tilespmem:v11+s15+$0x0], $0xffff  }
0x9e: {  	v11 =	vadd.s32 s30, v0;
	v19 =	vld.idx.msk [tilespmem:v12+s15+$0x0], $0xffff  }
0x9f: {  	v15 =	vld.idx.msk [tilespmem:v13+s15+$0x0], $0xffff  }
0xa0: {  	v22 =	vadd.s32 s30, v2;
	v13 =	vld.idx.msk [tilespmem:v17+s15+$0x0], $0xffff  }
0xa1: {  	v14 =	vld.idx.msk [tilespmem:v10+s15+$0x0], $0xffff;
	v10 =	vadd.s32 s30, v3  }
0xa2: {  	s28 =	simm.s32 $0x14100;
	v18 =	vld.idx.msk [tilespmem:v8+s15+$0x0], $0xffff;
	v8 =	vadd.s32 s30, v4  }
0xa3: {  	[tilespmem:s28+$0x70] =	vst v9;
	v17 =	vld.idx.msk [tilespmem:v11+s15+$0x0], $0xffff;
	v11 =	vadd.s32 s30, v5  }
0xa4: {  	v12 =	vadd.s32 s30, v6;
	[tilespmem:s28+$0x0] =	vst v16  }
0xa5: {  	s29 =	simm.s32 $0x0;
	v9 =	vadd.s32 s30, v7;
	v16 =	vld.idx.msk [tilespmem:v22+s15+$0x0], $0xffff;
	[tilespmem:s28+$0x10] =	vst v21;
	s30 =	simm.s32 $0x100  }
.LBB2_6:
0xa6: {  	v21 =	vadd.s32 s30, v1;
	v22 =	vadd.s32 s30, v2;
	s31 =	sadd.s32 $0x80, s30;
	v23 =	vld.idx.msk [tilespmem:v10+s15+$0x0], $0xffff;
	v10 =	vadd.s32 s30, v3;
	[tilespmem:s28+$0x20] =	vst v20  }
0xa7: {  	v20 =	vadd.s32 s30, v5;
	s29 =	sadd.s32 $0x2, s29;
	v24 =	vadd.s32 s31, v0;
	v25 =	vld.idx.msk [tilespmem:v8+s15+$0x0], $0xffff;
	v8 =	vadd.s32 s30, v4;
	[tilespmem:s28+$0x30] =	vst v19  }
0xa8: {  	v26 =	vadd.s32 s30, v7;
	v19 =	vadd.s32 s30, v6;
	v27 =	vadd.s32 s31, v7;
	p0 =	slt.u32 s29, $0x7E;
	v28 =	vld.idx.msk [tilespmem:v11+s15+$0x0], $0xffff;
	[tilespmem:s28+$0x40] =	vst v18;
	v11 =	vmovc v20  }
0xa9: {  	v29 =	vadd.s32 s30, v0;
	v18 =	vadd.s32 s31, v1;
	v30 =	vld.idx.msk [tilespmem:v12+s15+$0x0], $0xffff;
	[tilespmem:s28+$0x50] =	vst v15;
	v12 =	vmov v19  }
0xaa: {  	v15 =	vadd.s32 s31, v2;
	v31 =	vld.idx.msk [tilespmem:v9+s15+$0x0], $0xffff;
	[tilespmem:s28+$0x60] =	vst v14;
	v9 =	vmov v26  }
0xab: {  	v19 =	vadd.s32 s31, v3;
	v14 =	vld.idx.msk [tilespmem:v21+s15+$0x0], $0xffff;
	[tilespmem:s28+$0xFFFFFF80] =	vst v17  }
0xac: {  	v17 =	vadd.s32 s31, v4;
	v21 =	vld.idx.msk [tilespmem:v24+s15+$0x0], $0xffff;
	[tilespmem:s28+$0xFFFFFF90] =	vst v13  }
0xad: {  	v24 =	vadd.s32 s31, v5;
	v26 =	vld.idx.msk [tilespmem:v27+s15+$0x0], $0xffff;
	[tilespmem:s28+$0xFFFFFFA0] =	vst v16  }
0xae: {  	v16 =	vadd.s32 s31, v6;
	v27 =	vld.idx.msk [tilespmem:v18+s15+$0x0], $0xffff;
	[tilespmem:s28+$0xFFFFFFB0] =	vst v23  }
0xaf: {  	v20 =	vld.idx.msk [tilespmem:v15+s15+$0x0], $0xffff;
	[tilespmem:s28+$0xFFFFFFC0] =	vst v25  }
0xb0: {  	v19 =	vld.idx.msk [tilespmem:v19+s15+$0x0], $0xffff;
	[tilespmem:s28+$0xFFFFFFD0] =	vst v28  }
.Ltmp2:
0xb1: {  	v13 =	vmov v14;
	v18 =	vld.idx.msk [tilespmem:v17+s15+$0x0], $0xffff;
	[tilespmem:s28+$0xFFFFFFE0] =	vst v30;
	(pc) =	sbr.rel @p0 .LBB2_6-.Ltmp2, $4  }
0xb2: {  	v15 =	vld.idx.msk [tilespmem:v24+s15+$0x0], $0xffff;
	[tilespmem:s28+$0xFFFFFFF0] =	vst v31;
	s28 =	sadd.s32 $0x100, s28  }
0xb3: {  	v14 =	vld.idx.msk [tilespmem:v16+s15+$0x0], $0xffff;
	[tilespmem:s28+$0x70] =	vst v26  }
0xb4: {  	v17 =	vld.idx.msk [tilespmem:v29+s15+$0x0], $0xffff;
	[tilespmem:s28+$0x0] =	vst v21  }
0xb5: {  	s30 =	sadd.s32 $0x100, s30;
	v16 =	vld.idx.msk [tilespmem:v22+s15+$0x0], $0xffff;
	[tilespmem:s28+$0x10] =	vst v27  }
0xb6: {  	_ =	sdelay $0x3  }
0xb7: {  	v10 =	vld.idx.msk [tilespmem:v10+s15+$0x0], $0xffff  }
0xb8: {  	[tilespmem:s28+$0x20] =	vst v20;
	v8 =	vld.idx.msk [tilespmem:v8+s15+$0x0], $0xffff  }
0xb9: {  	[tilespmem:s28+$0x30] =	vst v19;
	v11 =	vld.idx.msk [tilespmem:v11+s15+$0x0], $0xffff  }
0xba: {  	[tilespmem:s28+$0x40] =	vst v18;
	v12 =	vld.idx.msk [tilespmem:v12+s15+$0x0], $0xffff  }
0xbb: {  	v9 =	vld.idx.msk [tilespmem:v9+s15+$0x0], $0xffff;
	[tilespmem:s28+$0xFFFFFF90] =	vst v13  }
0xbc: {  	[tilespmem:s28+$0x50] =	vst v15  }
0xbd: {  	[tilespmem:s28+$0x60] =	vst v14  }
0xbe: {  	[tilespmem:s28+$0xFFFFFF80] =	vst v17  }
0xbf: {  	[tilespmem:s28+$0xFFFFFFA0] =	vst v16  }
0xc0: {  	[tilespmem:s28+$0xFFFFFFB0] =	vst v10  }
0xc1: {  	[tilespmem:s28+$0xFFFFFFC0] =	vst v8  }
0xc2: {  	[tilespmem:s28+$0xFFFFFFD0] =	vst v11  }
0xc3: {  	[tilespmem:s28+$0xFFFFFFE0] =	vst v12  }
0xc4: {  	s30 =	simm.s32 $0x0;
	[tilespmem:s28+$0xFFFFFFF0] =	vst v9  }
0xc5: {  	[hbm4b:s10+s30] =	stream.linear.scatter [tilespmem:s22], [sflag:$0x6], $0x4000, $0x38;
	[tilespmem:$0x18080] =	vst v63  }
0xc6: {  	s28 =	simm.s32 $0x80;
	_ =	swait.ge [sflag:s17], $0x4000  }
0xc7: {  	v8 =	vadd.s32 s28, v0;
	[sflag:s17] =	ssyncset.done $0x0  }
0xc8: {  	v9 =	vadd.s32 s28, v7;
	[sflag:s17] =	ssyncadd.s32 $0xFFFFC000  }
0xc9: {  	v10 =	vadd.s32 s28, v1;
	_ =	swait.ge [sflag:s23], $0x4000  }
0xca: {  	v11 =	vadd.s32 s28, v2;
	[sflag:s23] =	ssyncset.done $0x0  }
0xcb: {  	v12 =	vadd.s32 s28, v3;
	[sflag:s23] =	ssyncadd.s32 $0xFFFFC000  }
0xcc: {  	v13 =	vadd.s32 s28, v5;
	v16 =	vld.idx.msk [tilespmem:v8+s13+$0x0], $0xffff  }
0xcd: {  	v17 =	vadd.s32 s30, v1;
	v9 =	vld.idx.msk [tilespmem:v9+s13+$0x0], $0xffff  }
0xce: {  	v21 =	vld.idx.msk [tilespmem:v10+s13+$0x0], $0xffff;
	v10 =	vadd.s32 s28, v6  }
0xcf: {  	v8 =	vadd.s32 s28, v4;
	v20 =	vld.idx.msk [tilespmem:v11+s13+$0x0], $0xffff  }
0xd0: {  	v11 =	vadd.s32 s30, v0;
	v19 =	vld.idx.msk [tilespmem:v12+s13+$0x0], $0xffff  }
0xd1: {  	v15 =	vld.idx.msk [tilespmem:v13+s13+$0x0], $0xffff  }
0xd2: {  	v22 =	vadd.s32 s30, v2;
	v13 =	vld.idx.msk [tilespmem:v17+s13+$0x0], $0xffff  }
0xd3: {  	v14 =	vld.idx.msk [tilespmem:v10+s13+$0x0], $0xffff;
	v10 =	vadd.s32 s30, v3  }
0xd4: {  	s28 =	simm.s32 $0xC100;
	v18 =	vld.idx.msk [tilespmem:v8+s13+$0x0], $0xffff;
	v8 =	vadd.s32 s30, v4  }
0xd5: {  	[tilespmem:s28+$0x70] =	vst v9;
	v17 =	vld.idx.msk [tilespmem:v11+s13+$0x0], $0xffff;
	v11 =	vadd.s32 s30, v5  }
0xd6: {  	v12 =	vadd.s32 s30, v6;
	[tilespmem:s28+$0x0] =	vst v16  }
0xd7: {  	s29 =	simm.s32 $0x0;
	v9 =	vadd.s32 s30, v7;
	v16 =	vld.idx.msk [tilespmem:v22+s13+$0x0], $0xffff;
	[tilespmem:s28+$0x10] =	vst v21;
	s30 =	simm.s32 $0x100  }
.LBB2_8:
0xd8: {  	v21 =	vadd.s32 s30, v1;
	v22 =	vadd.s32 s30, v2;
	s31 =	sadd.s32 $0x80, s30;
	v23 =	vld.idx.msk [tilespmem:v10+s13+$0x0], $0xffff;
	v10 =	vadd.s32 s30, v3;
	[tilespmem:s28+$0x20] =	vst v20  }
0xd9: {  	v20 =	vadd.s32 s30, v5;
	s29 =	sadd.s32 $0x2, s29;
	v24 =	vadd.s32 s31, v0;
	v25 =	vld.idx.msk [tilespmem:v8+s13+$0x0], $0xffff;
	v8 =	vadd.s32 s30, v4;
	[tilespmem:s28+$0x30] =	vst v19  }
0xda: {  	v26 =	vadd.s32 s30, v7;
	v19 =	vadd.s32 s30, v6;
	v27 =	vadd.s32 s31, v7;
	p0 =	slt.u32 s29, $0x7E;
	v28 =	vld.idx.msk [tilespmem:v11+s13+$0x0], $0xffff;
	[tilespmem:s28+$0x40] =	vst v18;
	v11 =	vmovc v20  }
0xdb: {  	v29 =	vadd.s32 s30, v0;
	v18 =	vadd.s32 s31, v1;
	v30 =	vld.idx.msk [tilespmem:v12+s13+$0x0], $0xffff;
	[tilespmem:s28+$0x50] =	vst v15;
	v12 =	vmov v19  }
0xdc: {  	v15 =	vadd.s32 s31, v2;
	v31 =	vld.idx.msk [tilespmem:v9+s13+$0x0], $0xffff;
	[tilespmem:s28+$0x60] =	vst v14;
	v9 =	vmov v26  }
0xdd: {  	v19 =	vadd.s32 s31, v3;
	v14 =	vld.idx.msk [tilespmem:v21+s13+$0x0], $0xffff;
	[tilespmem:s28+$0xFFFFFF80] =	vst v17  }
0xde: {  	v17 =	vadd.s32 s31, v4;
	v21 =	vld.idx.msk [tilespmem:v24+s13+$0x0], $0xffff;
	[tilespmem:s28+$0xFFFFFF90] =	vst v13  }
0xdf: {  	v24 =	vadd.s32 s31, v5;
	v26 =	vld.idx.msk [tilespmem:v27+s13+$0x0], $0xffff;
	[tilespmem:s28+$0xFFFFFFA0] =	vst v16  }
0xe0: {  	v16 =	vadd.s32 s31, v6;
	v27 =	vld.idx.msk [tilespmem:v18+s13+$0x0], $0xffff;
	[tilespmem:s28+$0xFFFFFFB0] =	vst v23  }
0xe1: {  	v20 =	vld.idx.msk [tilespmem:v15+s13+$0x0], $0xffff;
	[tilespmem:s28+$0xFFFFFFC0] =	vst v25  }
0xe2: {  	v19 =	vld.idx.msk [tilespmem:v19+s13+$0x0], $0xffff;
	[tilespmem:s28+$0xFFFFFFD0] =	vst v28  }
.Ltmp3:
0xe3: {  	v13 =	vmov v14;
	v18 =	vld.idx.msk [tilespmem:v17+s13+$0x0], $0xffff;
	[tilespmem:s28+$0xFFFFFFE0] =	vst v30;
	(pc) =	sbr.rel @p0 .LBB2_8-.Ltmp3, $4  }
0xe4: {  	v15 =	vld.idx.msk [tilespmem:v24+s13+$0x0], $0xffff;
	[tilespmem:s28+$0xFFFFFFF0] =	vst v31;
	s28 =	sadd.s32 $0x100, s28  }
0xe5: {  	v14 =	vld.idx.msk [tilespmem:v16+s13+$0x0], $0xffff;
	[tilespmem:s28+$0x70] =	vst v26  }
0xe6: {  	v17 =	vld.idx.msk [tilespmem:v29+s13+$0x0], $0xffff;
	[tilespmem:s28+$0x0] =	vst v21  }
0xe7: {  	s30 =	sadd.s32 $0x100, s30;
	v16 =	vld.idx.msk [tilespmem:v22+s13+$0x0], $0xffff;
	[tilespmem:s28+$0x10] =	vst v27  }
0xe8: {  	_ =	sdelay $0x3  }
0xe9: {  	v0 =	vld.idx.msk [tilespmem:v10+s13+$0x0], $0xffff  }
0xea: {  	[tilespmem:s28+$0x20] =	vst v20;
	v1 =	vld.idx.msk [tilespmem:v8+s13+$0x0], $0xffff  }
0xeb: {  	[tilespmem:s28+$0x30] =	vst v19;
	v2 =	vld.idx.msk [tilespmem:v11+s13+$0x0], $0xffff  }
0xec: {  	[tilespmem:s28+$0x40] =	vst v18;
	v3 =	vld.idx.msk [tilespmem:v12+s13+$0x0], $0xffff  }
0xed: {  	v4 =	vld.idx.msk [tilespmem:v9+s13+$0x0], $0xffff;
	[tilespmem:s28+$0xFFFFFF90] =	vst v13  }
0xee: {  	[tilespmem:s28+$0x50] =	vst v15  }
0xef: {  	[tilespmem:s28+$0x60] =	vst v14  }
0xf0: {  	[tilespmem:s28+$0xFFFFFF80] =	vst v17  }
0xf1: {  	[tilespmem:s28+$0xFFFFFFA0] =	vst v16  }
0xf2: {  	[tilespmem:s28+$0xFFFFFFB0] =	vst v0  }
0xf3: {  	[tilespmem:s28+$0xFFFFFFC0] =	vst v1  }
0xf4: {  	[tilespmem:s28+$0xFFFFFFD0] =	vst v2  }
0xf5: {  	[tilespmem:s28+$0xFFFFFFE0] =	vst v3  }
0xf6: {  	[tilespmem:s28+$0xFFFFFFF0] =	vst v4  }
0xf7: {  	[hbm4b:s11+s3] =	stream.linear.scatter [tilespmem:s18], [sflag:$0x4], $0x4000, $0x38;
	[tilespmem:$0x18080] =	vst v63  }
0xf8: {  	_ =	swait.ge [sflag:s23], $0x4000  }
0xf9: {  	[sflag:s23] =	ssyncset.done $0x0  }
0xfa: {  	s26 =	sadd.s32 $0x1, s26;
	[sflag:s23] =	ssyncadd.s32 $0xFFFFC000  }
0xfb: {  	p0 =	sne.s32 s26, s12;
	_ =	swait.ge [sflag:s24], $0x4000  }
.Ltmp4:
0xfc: {  	[sflag:s24] =	ssyncset.done $0x0;
	(pc) =	sbr.rel @p0 .LBB2_1-.Ltmp4, $4  }
0xfd: {  	[sflag:s24] =	ssyncadd.s32 $0xFFFFC000  }
0xfe: {  	_ =	swait.ge [sflag:s25], $0x4000  }
0xff: {  	[sflag:s25] =	ssyncset.done $0x0  }
0x100: {  	[sflag:s25] =	ssyncadd.s32 $0xFFFFC000  }
0x101: {  	_ =	sfence.sel $0x180000  }
0x102: {  	[bflag:$0x0] =	sbarrier.arrive $0xFFFF  }
0x103: {  	p0 =	sne.s32 s2, $0x0;
	_ =	strace $0x90000047  }
0x104: {  	s0 =	sadd.s32 @!p0 $0x100000, s0;
	[bflag:$0x2] =	sbarrier.arrive $0xFFFF  }
0x105: {  	[sflag:s0] =	ssyncadd.tile.s32 @!p0 $0x1;
	_ =	shalt  }
.Lfunc_end2:
_tile_overlayer_lowered:
.L_overlay_start_2:
0x106: {  	(tag) =	ssettag $0x2  }
0x107: {  	s0 =	rddreg [dreg:$0x0];
	s2 =	stileid.u32  }
0x108: {  	s1 =	rddreg [dreg:$0x1];
	p0 =	sne.s32 s2, $0x0  }
0x109: {  	s3 =	rddreg [dreg:$0x2];
	[bflag:$0x3] =	sbarrier.arrive $0xFFFF;
	s2 =	simm.s32 @!p0 $0x1C07  }
0x10a: {  	[timem:s3], [sflag:s2] =	dma.local @!p0 [hbm:s0], s1  }
0x10b: {  	s0 =	simm.s32 @!p0 $0x7  }
0x10c: {  	_ =	swait.ge @!p0 [sflag:s0], s1  }
0x10d: {  	s1 =	ssub.s32 @!p0 $0x0, s1;
	[sflag:s0] =	ssyncset.done @!p0 $0x0  }
0x10e: {  	[sflag:s0] =	ssyncadd.s32 @!p0 s1  }
0x10f: {  	[bflag:$0x3] =	sbarrier.arrive $0xFFFF  }
0x110: {  	_ =	shalt  }

</sc_bundles>
